<compile_context>
chip_gen: v7x
topology: tpu7x:2x2x1
jax: 0.10.2.dev20260603
libtpu: 0.0.44.dev20260713+nightly
codegen_flags: <defaults>
</compile_context>

<pallas_src>
import functools

import jax
import jax.numpy as jnp
from jax import lax
from jax.experimental import pallas as pl
from jax.experimental.pallas import tpu as pltpu
from jax.experimental.pallas import tpu_sc as plsc

TBLK = 128
RB = 512
NW = 32
CW = 128
VL = 16


def _router_body(x_ref, wr_ref, eid_ref):
    xt = x_ref[...]
    wr = wr_ref[...]
    logits = jax.lax.dot_general(
        xt, wr, (((1,), (1,)), ((), ())), preferred_element_type=jnp.float32)
    e = logits.shape[1]
    m = jnp.max(logits, axis=1, keepdims=True)
    idx = jax.lax.broadcasted_iota(jnp.int32, logits.shape, 1)
    eid = jnp.min(jnp.where(logits >= m, idx, e), axis=1)
    eid_ref[0, 0, :] = eid


def _ffn_body(meta_ref, xs_ref, wg_ref, wu_ref, wd_ref, ys_ref):
    e = pl.program_id(0)
    start = meta_ref[0, e]
    count = meta_ref[1, e]
    nblk = jax.lax.div(count + TBLK - 1, TBLK)
    clamp = jax.lax.div(jnp.maximum(count - TBLK, 0) + 7, 8) * 8

    def tile(t, carry):
        off = jnp.minimum(t * TBLK, clamp)
        base = pl.multiple_of(start + off, 8)
        xt = xs_ref[pl.ds(base, TBLK), :]
        g = jax.lax.dot_general(
            xt, wg_ref[0], (((1,), (1,)), ((), ())),
            preferred_element_type=jnp.float32)
        u = jax.lax.dot_general(
            xt, wu_ref[0], (((1,), (1,)), ((), ())),
            preferred_element_type=jnp.float32)
        h = g * jax.lax.logistic(g) * u
        y = jax.lax.dot_general(
            h, wd_ref[0], (((1,), (1,)), ((), ())),
            preferred_element_type=jnp.float32)
        ys_ref[pl.ds(base, TBLK), :] = y
        return carry

    jax.lax.fori_loop(0, nblk, tile, 0)


def _sc_dispatch(n, npad, d, e):
    nv = n // VL
    mesh = plsc.VectorSubcoreMesh(core_axis_name="c", subcore_axis_name="s")

    @functools.partial(
        pl.kernel,
        mesh=mesh,
        compiler_params=pltpu.CompilerParams(needs_layout_passes=False),
        out_type=(
            jax.ShapeDtypeStruct((npad, d), jnp.float32),
            jax.ShapeDtypeStruct((n,), jnp.int32),
            jax.ShapeDtypeStruct((2, e), jnp.int32),
        ),
        scratch_types=[
            pltpu.VMEM((n,), jnp.int32),
            pltpu.VMEM((e,), jnp.int32),
            pltpu.VMEM((e,), jnp.int32),
            pltpu.VMEM((CW,), jnp.int32),
            pltpu.VMEM((CW, d), jnp.float32),
            pltpu.SemaphoreType.DMA,
            pltpu.SemaphoreType.DMA,
        ],
    )
    def dispatch_k(eid_hbm, xf_hbm, xs_hbm, tpos_hbm, meta_hbm,
                   eid_v, hist, sal, pos_v, rows_v, sem, sem2):
        wid = lax.axis_index("s") * 2 + lax.axis_index("c")
        cw = wid * CW
        rd = pltpu.async_copy(xf_hbm.at[pl.ds(cw, CW)], rows_v, sem2)
        pltpu.sync_copy(eid_hbm, eid_v)
        for k in range(e // VL):
            hist[pl.ds(k * VL, VL)] = jnp.zeros((VL,), jnp.int32)

        def hist_update(i):
            ev = eid_v[pl.ds(i * VL, VL)]
            cnt, last = plsc.scan_count(ev)
            old = plsc.load_gather(hist, [ev])
            plsc.store_scatter(hist, [ev], old + cnt, mask=last)
            return ev, cnt, old

        my0 = wid * (CW // VL)

        def pre(i, c):
            hist_update(i)
            return c

        lax.fori_loop(0, my0, pre, 0)
        evs, ranks = [], []
        for k in range(CW // VL):
            ev, cnt, old = hist_update(my0 + k)
            evs.append(ev)
            ranks.append(old + cnt - 1)
        lax.fori_loop(my0 + CW // VL, nv, pre, 0)

        carry = jnp.zeros((), jnp.int32)
        for k in range(e // VL):
            c8 = (hist[pl.ds(k * VL, VL)] + 7) & (-8)
            s = plsc.cumsum(c8)
            sal[pl.ds(k * VL, VL)] = s - c8 + carry
            carry = carry + jnp.max(s)

        for k in range(CW // VL):
            base = plsc.load_gather(sal, [evs[k]])
            pos_v[pl.ds(k * VL, VL)] = base + ranks[k]

        rd.wait()
        wr = pltpu.async_copy(rows_v, xs_hbm.at[pos_v], sem)
        pltpu.sync_copy(pos_v, tpos_hbm.at[pl.ds(cw, CW)])

        @pl.when(wid == 0)
        def _():
            pltpu.sync_copy(sal, meta_hbm.at[0])
            pltpu.sync_copy(hist, meta_hbm.at[1])

        wr.wait()

    return dispatch_k


def _sc_row_gather(nrows, d, dtype):
    assert nrows % (8 * NW) == 0
    rpw = nrows // NW
    mesh = plsc.VectorSubcoreMesh(core_axis_name="c", subcore_axis_name="s")

    @functools.partial(
        pl.kernel,
        mesh=mesh,
        out_type=jax.ShapeDtypeStruct((nrows, d), dtype),
        scratch_types=[
            pltpu.VMEM((rpw,), jnp.int32),
            pltpu.VMEM((rpw, d), dtype),
            pltpu.SemaphoreType.DMA,
        ],
    )
    def gather_k(idx_hbm, table_hbm, out_hbm, idx_v, rows_v, sem):
        wid = lax.axis_index("s") * 2 + lax.axis_index("c")
        base = wid * rpw
        pltpu.sync_copy(idx_hbm.at[pl.ds(base, rpw)], idx_v)
        pltpu.async_copy(table_hbm.at[idx_v], rows_v, sem).wait()
        pltpu.sync_copy(rows_v, out_hbm.at[pl.ds(base, rpw)])

    return gather_k


@jax.jit
def kernel(x, Wr, Wg, Wu, Wd):
    b, t, d = x.shape
    e, ff, _ = Wg.shape
    n = b * t
    npad = -(-(n + 8 * e + TBLK) // 256) * 256
    xf = x.reshape(n, d)

    nb = n // RB
    eid = pl.pallas_call(
        _router_body,
        grid=(nb,),
        in_specs=[
            pl.BlockSpec((RB, d), lambda i: (i, 0)),
            pl.BlockSpec((e, d), lambda i: (0, 0)),
        ],
        out_specs=pl.BlockSpec((1, 1, RB), lambda i: (i, 0, 0)),
        out_shape=jax.ShapeDtypeStruct((nb, 1, RB), jnp.int32),
    )(xf, Wr).reshape(n)

    xs, token_pos, meta = _sc_dispatch(n, npad, d, e)(eid, xf)

    ys = pl.pallas_call(
        _ffn_body,
        grid_spec=pltpu.PrefetchScalarGridSpec(
            num_scalar_prefetch=1,
            grid=(e,),
            in_specs=[
                pl.BlockSpec((npad, d), lambda i, m: (0, 0)),
                pl.BlockSpec((1, ff, d), lambda i, m: (i, 0, 0)),
                pl.BlockSpec((1, ff, d), lambda i, m: (i, 0, 0)),
                pl.BlockSpec((1, d, ff), lambda i, m: (i, 0, 0)),
            ],
            out_specs=pl.BlockSpec((npad, d), lambda i, m: (0, 0)),
        ),
        out_shape=jax.ShapeDtypeStruct((npad, d), jnp.float32),
    )(meta, xs, Wg, Wu, Wd)

    out = _sc_row_gather(n, d, jnp.float32)(token_pos, ys)
    return out.reshape(b, t, d)

# --- scband reference (transcript-rebuilt; emitter-appended) ---
"""Pipeline reference for scband-mo-elayer-6777458393862 (READ-ONLY COPY).

The authoritative reference and input builder live on the scoring server;
editing this copy changes nothing except your own understanding.
"""

import jax, jax.numpy as jnp
import numpy as np

B, T, D, FF, E, TOP_K = 2, 2048, 768, 768, 64, 1

def setup_inputs(seed: int = 0) -> dict:
    key = jax.random.key(seed)
    ks = jax.random.split(key, 5)
    x = jax.random.normal(ks[0], (B, T, D), dtype=jnp.float32)
    Wr = jax.random.normal(ks[1], (E, D), dtype=jnp.float32) * 0.02
    Wg = jax.random.normal(ks[2], (E, FF, D), dtype=jnp.float32) * 0.02
    Wu = jax.random.normal(ks[3], (E, FF, D), dtype=jnp.float32) * 0.02
    Wd = jax.random.normal(ks[4], (E, D, FF), dtype=jnp.float32) * 0.02
    return {"x": x, "Wr": Wr, "Wg": Wg, "Wu": Wu, "Wd": Wd}

def reference(x, Wr, Wg, Wu, Wd):
    xf = x.reshape(-1, D)
    N = xf.shape[0]
    logits = xf @ Wr.T
    scores = jax.nn.softmax(logits, axis=-1)
    topk_scores, topk_ids = jax.lax.top_k(scores, TOP_K)
    topk_scores = topk_scores / topk_scores.sum(axis=-1, keepdims=True)
    # load-balancing aux loss (side computation, matches torch module's property)
    tokens_per_expert = jnp.zeros((E,), dtype=xf.dtype).at[topk_ids.reshape(-1)].add(1.0)
    fraction = tokens_per_expert / (N * TOP_K)
    avg_prob = scores.mean(axis=0)
    _aux_loss = (fraction * avg_prob).sum() * E
    out = jnp.zeros_like(xf)
    for k in range(TOP_K):
        ids_k = topk_ids[:, k]
        w_k = topk_scores[:, k]
        for e in range(E):
            mask = ids_k == e
            h = jax.nn.silu(xf @ Wg[e].T) * (xf @ Wu[e].T)
            y = h @ Wd[e].T
            w = jnp.where(mask, w_k, jnp.zeros_like(w_k))
            out = out + w[:, None] * y
    return out.reshape(B, T, D)

if __name__ == "__main__":
    import jax
    _d = setup_inputs()
    print(jax.jit(kernel)(*tuple(_d.values())))

</pallas_src>

<mosaic_0001>
#map = affine_map<(d0, d1) -> (0)>
#map1 = affine_map<(d0, d1) -> (0, 0)>
module attributes {stable_mosaic.version = 14 : i64} {
  func.func @dispatch_k(%arg0: i32, %arg1: i32, %arg2: memref<4096xi32, #tpu.memory_space<hbm>>, %arg3: memref<4096x768xf32, #tpu.memory_space<hbm>>, %arg4: memref<4864x768xf32, #tpu.memory_space<hbm>>, %arg5: memref<4096xi32, #tpu.memory_space<hbm>>, %arg6: memref<2x64xi32, #tpu.memory_space<hbm>>, %arg7: memref<4096xi32, #tpu.memory_space<vmem>>, %arg8: memref<64xi32, #tpu.memory_space<vmem>>, %arg9: memref<64xi32, #tpu.memory_space<vmem>>, %arg10: memref<128xi32, #tpu.memory_space<vmem>>, %arg11: memref<128x768xf32, #tpu.memory_space<vmem>>, %arg12: memref<!tpu.dma_semaphore, #tpu.memory_space<semaphore_mem>>, %arg13: memref<!tpu.dma_semaphore, #tpu.memory_space<semaphore_mem>>) attributes {dimension_semantics = [#tpu.dimension_semantics<core_parallel>, #tpu.dimension_semantics<subcore_parallel>], iteration_bounds = array<i64: 2, 16>, scalar_prefetch = 0 : i64, scratch_operands = 7 : i64, tpu.core_type = #tpu.core_type<sc_vector_subcore>, window_params = [{transform_indices = #map}, {transform_indices = #map1}, {transform_indices = #map1}, {transform_indices = #map}, {transform_indices = #map1}]} {
    %mul3A = arith.constant 2 : i32
    %mul3A_0 = arith.muli %arg1, %mul3A : i32
    %add3A = arith.addi %mul3A_0, %arg0 : i32
    %mul3A_1 = arith.constant 128 : i32
    %mul3A_2 = arith.muli %add3A, %mul3A_1 : i32
    %dma_start3A = arith.constant 0 : i32
    %dma_start3A_3 = tpu.memref_slice %arg3[%mul3A_2, %dma_start3A] : memref<4096x768xf32, #tpu.memory_space<hbm>> -> memref<128x768xf32, #tpu.memory_space<hbm>>
    %dma_start3A_4 = arith.constant 0 : i32
    %dma_start3A_5 = tpu.memref_slice %arg3[%mul3A_2, %dma_start3A_4] : memref<4096x768xf32, #tpu.memory_space<hbm>> -> memref<128x768xf32, #tpu.memory_space<hbm>>
    tpu.enqueue_dma source(%dma_start3A_5 : memref<128x768xf32, #tpu.memory_space<hbm>>) target(%arg11 : memref<128x768xf32, #tpu.memory_space<vmem>>) target_semaphore(%arg13 : memref<!tpu.dma_semaphore, #tpu.memory_space<semaphore_mem>>)
    "tpu.region"() ({
      %run_scoped3A = tpu.sem_alloc : memref<!tpu.dma_semaphore, #tpu.memory_space<semaphore_mem>>
      tpu.enqueue_dma source(%arg2 : memref<4096xi32, #tpu.memory_space<hbm>>) target(%arg7 : memref<4096xi32, #tpu.memory_space<vmem>>) target_semaphore(%run_scoped3A : memref<!tpu.dma_semaphore, #tpu.memory_space<semaphore_mem>>)
      tpu.wait_dma2 semaphore(%run_scoped3A : memref<!tpu.dma_semaphore, #tpu.memory_space<semaphore_mem>>) src(%arg2 : memref<4096xi32, #tpu.memory_space<hbm>>) dst(%arg7 : memref<4096xi32, #tpu.memory_space<vmem>>)
      tpu.yield
    }) : () -> ()
    %broadcast_in_dim3A = arith.constant 0 : i32
    %broadcast_in_dim3A_6 = vector.broadcast %broadcast_in_dim3A : i32 to vector<16xi32>
    %swap3A = arith.constant 0 : index
    %swap3A_7 = tpu.vector_load %arg8[%swap3A] {strides = array<i32>} : memref<64xi32, #tpu.memory_space<vmem>>, vector<16xi32>,
    tpu.vector_store %arg8[%swap3A], %broadcast_in_dim3A_6 {strides = array<i32>} : memref<64xi32, #tpu.memory_space<vmem>>, vector<16xi32>,
    %broadcast_in_dim3A_8 = arith.constant 0 : i32
    %broadcast_in_dim3A_9 = vector.broadcast %broadcast_in_dim3A_8 : i32 to vector<16xi32>
    %swap3A_10 = arith.constant 16 : index
    %swap3A_11 = tpu.vector_load %arg8[%swap3A_10] {strides = array<i32>} : memref<64xi32, #tpu.memory_space<vmem>>, vector<16xi32>,
    tpu.vector_store %arg8[%swap3A_10], %broadcast_in_dim3A_9 {strides = array<i32>} : memref<64xi32, #tpu.memory_space<vmem>>, vector<16xi32>,
    %broadcast_in_dim3A_12 = arith.constant 0 : i32
    %broadcast_in_dim3A_13 = vector.broadcast %broadcast_in_dim3A_12 : i32 to vector<16xi32>
    %swap3A_14 = arith.constant 32 : index
    %swap3A_15 = tpu.vector_load %arg8[%swap3A_14] {strides = array<i32>} : memref<64xi32, #tpu.memory_space<vmem>>, vector<16xi32>,
    tpu.vector_store %arg8[%swap3A_14], %broadcast_in_dim3A_13 {strides = array<i32>} : memref<64xi32, #tpu.memory_space<vmem>>, vector<16xi32>,
    %broadcast_in_dim3A_16 = arith.constant 0 : i32
    %broadcast_in_dim3A_17 = vector.broadcast %broadcast_in_dim3A_16 : i32 to vector<16xi32>
    %swap3A_18 = arith.constant 48 : index
    %swap3A_19 = tpu.vector_load %arg8[%swap3A_18] {strides = array<i32>} : memref<64xi32, #tpu.memory_space<vmem>>, vector<16xi32>,
    tpu.vector_store %arg8[%swap3A_18], %broadcast_in_dim3A_17 {strides = array<i32>} : memref<64xi32, #tpu.memory_space<vmem>>, vector<16xi32>,
    %mul3A_20 = arith.constant 8 : i32
    %mul3A_21 = arith.muli %add3A, %mul3A_20 : i32
    %while3A = arith.constant 0 : i32
    %while3A_22 = arith.constant 0 : i32
    %while3A_23 = arith.subi %mul3A_21, %while3A_22 : i32
    %while3A_24 = arith.addi %while3A_22, %while3A_23 : i32
    %while3A_25 = arith.constant 1 : i32
    %while3A_26 = arith.divsi %while3A_23, %while3A_25 : i32
    %while3A_27 = arith.muli %while3A_26, %while3A_25 : i32
    %while3A_28 = arith.addi %while3A_22, %while3A_27 : i32
    %while3A_29 = arith.constant 1 : i32
    scf.for %while3A_309 = %while3A_22 to %while3A_28 step %while3A_29  : i32 {
      %mul3A_310 = arith.constant 16 : i32
      %mul3A_311 = arith.muli %while3A_309, %mul3A_310 : i32
      %get3A_312 = arith.index_cast %mul3A_311 : i32 to index
      %get3A_313 = tpu.vector_load %arg7[%get3A_312] {strides = array<i32>} : memref<4096xi32, #tpu.memory_space<vmem>>, vector<16xi32>,
      %broadcast_in_dim3A_314 = arith.constant true
      %broadcast_in_dim3A_315 = vector.broadcast %broadcast_in_dim3A_314 : i1 to vector<16xi1>
      %unique3A_316, %unique3A_317 = tpu.scan_count mask(%broadcast_in_dim3A_315 : vector<16xi1>) value(%get3A_313 : vector<16xi32>) : vector<16xi1>, vector<16xi32>
      %gather3A_318 = tpu.vector_load_idx %arg8[%get3A_313] : memref<64xi32, #tpu.memory_space<vmem>>[vector<16xi32>], vector<16xi32>,
      %add3A_319 = arith.addi %gather3A_318, %unique3A_317 : vector<16xi32>
      tpu.vector_store_idx %arg8[%get3A_313], %add3A_319 masked %unique3A_316 : memref<64xi32, #tpu.memory_space<vmem>>[vector<16xi32>], vector<16xi32>, vector<16xi1>
    }
    %while3A_30 = arith.constant 1 : i32
    scf.for %while3A_309 = %while3A_28 to %while3A_24 step %while3A_30  : i32 {
      %mul3A_310 = arith.constant 16 : i32
      %mul3A_311 = arith.muli %while3A_309, %mul3A_310 : i32
      %get3A_312 = arith.index_cast %mul3A_311 : i32 to index
      %get3A_313 = tpu.vector_load %arg7[%get3A_312] {strides = array<i32>} : memref<4096xi32, #tpu.memory_space<vmem>>, vector<16xi32>,
      %broadcast_in_dim3A_314 = arith.constant true
      %broadcast_in_dim3A_315 = vector.broadcast %broadcast_in_dim3A_314 : i1 to vector<16xi1>
      %unique3A_316, %unique3A_317 = tpu.scan_count mask(%broadcast_in_dim3A_315 : vector<16xi1>) value(%get3A_313 : vector<16xi32>) : vector<16xi1>, vector<16xi32>
      %gather3A_318 = tpu.vector_load_idx %arg8[%get3A_313] : memref<64xi32, #tpu.memory_space<vmem>>[vector<16xi32>], vector<16xi32>,
      %add3A_319 = arith.addi %gather3A_318, %unique3A_317 : vector<16xi32>
      tpu.vector_store_idx %arg8[%get3A_313], %add3A_319 masked %unique3A_316 : memref<64xi32, #tpu.memory_space<vmem>>[vector<16xi32>], vector<16xi32>, vector<16xi1>
    }
    %add3A_31 = arith.constant 0 : i32
    %add3A_32 = arith.addi %mul3A_21, %add3A_31 : i32
    %mul3A_33 = arith.constant 16 : i32
    %mul3A_34 = arith.muli %add3A_32, %mul3A_33 : i32
    %get3A = arith.index_cast %mul3A_34 : i32 to index
    %get3A_35 = tpu.vector_load %arg7[%get3A] {strides = array<i32>} : memref<4096xi32, #tpu.memory_space<vmem>>, vector<16xi32>,
    %broadcast_in_dim3A_36 = arith.constant true
    %broadcast_in_dim3A_37 = vector.broadcast %broadcast_in_dim3A_36 : i1 to vector<16xi1>
    %unique3A, %unique3A_38 = tpu.scan_count mask(%broadcast_in_dim3A_37 : vector<16xi1>) value(%get3A_35 : vector<16xi32>) : vector<16xi1>, vector<16xi32>
    %gather3A = tpu.vector_load_idx %arg8[%get3A_35] : memref<64xi32, #tpu.memory_space<vmem>>[vector<16xi32>], vector<16xi32>,
    %add3A_39 = arith.addi %gather3A, %unique3A_38 : vector<16xi32>
    tpu.vector_store_idx %arg8[%get3A_35], %add3A_39 masked %unique3A : memref<64xi32, #tpu.memory_space<vmem>>[vector<16xi32>], vector<16xi32>, vector<16xi1>
    %add3A_40 = arith.addi %gather3A, %unique3A_38 : vector<16xi32>
    %sub3A = arith.constant 1 : i32
    %sub3A_41 = vector.broadcast %sub3A : i32 to vector<16xi32>
    %sub3A_42 = arith.subi %add3A_40, %sub3A_41 : vector<16xi32>
    %add3A_43 = arith.constant 1 : i32
    %add3A_44 = arith.addi %mul3A_21, %add3A_43 : i32
    %mul3A_45 = arith.constant 16 : i32
    %mul3A_46 = arith.muli %add3A_44, %mul3A_45 : i32
    %get3A_47 = arith.index_cast %mul3A_46 : i32 to index
    %get3A_48 = tpu.vector_load %arg7[%get3A_47] {strides = array<i32>} : memref<4096xi32, #tpu.memory_space<vmem>>, vector<16xi32>,
    %broadcast_in_dim3A_49 = arith.constant true
    %broadcast_in_dim3A_50 = vector.broadcast %broadcast_in_dim3A_49 : i1 to vector<16xi1>
    %unique3A_51, %unique3A_52 = tpu.scan_count mask(%broadcast_in_dim3A_50 : vector<16xi1>) value(%get3A_48 : vector<16xi32>) : vector<16xi1>, vector<16xi32>
    %gather3A_53 = tpu.vector_load_idx %arg8[%get3A_48] : memref<64xi32, #tpu.memory_space<vmem>>[vector<16xi32>], vector<16xi32>,
    %add3A_54 = arith.addi %gather3A_53, %unique3A_52 : vector<16xi32>
    tpu.vector_store_idx %arg8[%get3A_48], %add3A_54 masked %unique3A_51 : memref<64xi32, #tpu.memory_space<vmem>>[vector<16xi32>], vector<16xi32>, vector<16xi1>
    %add3A_55 = arith.addi %gather3A_53, %unique3A_52 : vector<16xi32>
    %sub3A_56 = arith.constant 1 : i32
    %sub3A_57 = vector.broadcast %sub3A_56 : i32 to vector<16xi32>
    %sub3A_58 = arith.subi %add3A_55, %sub3A_57 : vector<16xi32>
    %add3A_59 = arith.constant 2 : i32
    %add3A_60 = arith.addi %mul3A_21, %add3A_59 : i32
    %mul3A_61 = arith.constant 16 : i32
    %mul3A_62 = arith.muli %add3A_60, %mul3A_61 : i32
    %get3A_63 = arith.index_cast %mul3A_62 : i32 to index
    %get3A_64 = tpu.vector_load %arg7[%get3A_63] {strides = array<i32>} : memref<4096xi32, #tpu.memory_space<vmem>>, vector<16xi32>,
    %broadcast_in_dim3A_65 = arith.constant true
    %broadcast_in_dim3A_66 = vector.broadcast %broadcast_in_dim3A_65 : i1 to vector<16xi1>
    %unique3A_67, %unique3A_68 = tpu.scan_count mask(%broadcast_in_dim3A_66 : vector<16xi1>) value(%get3A_64 : vector<16xi32>) : vector<16xi1>, vector<16xi32>
    %gather3A_69 = tpu.vector_load_idx %arg8[%get3A_64] : memref<64xi32, #tpu.memory_space<vmem>>[vector<16xi32>], vector<16xi32>,
    %add3A_70 = arith.addi %gather3A_69, %unique3A_68 : vector<16xi32>
    tpu.vector_store_idx %arg8[%get3A_64], %add3A_70 masked %unique3A_67 : memref<64xi32, #tpu.memory_space<vmem>>[vector<16xi32>], vector<16xi32>, vector<16xi1>
    %add3A_71 = arith.addi %gather3A_69, %unique3A_68 : vector<16xi32>
    %sub3A_72 = arith.constant 1 : i32
    %sub3A_73 = vector.broadcast %sub3A_72 : i32 to vector<16xi32>
    %sub3A_74 = arith.subi %add3A_71, %sub3A_73 : vector<16xi32>
    %add3A_75 = arith.constant 3 : i32
    %add3A_76 = arith.addi %mul3A_21, %add3A_75 : i32
    %mul3A_77 = arith.constant 16 : i32
    %mul3A_78 = arith.muli %add3A_76, %mul3A_77 : i32
    %get3A_79 = arith.index_cast %mul3A_78 : i32 to index
    %get3A_80 = tpu.vector_load %arg7[%get3A_79] {strides = array<i32>} : memref<4096xi32, #tpu.memory_space<vmem>>, vector<16xi32>,
    %broadcast_in_dim3A_81 = arith.constant true
    %broadcast_in_dim3A_82 = vector.broadcast %broadcast_in_dim3A_81 : i1 to vector<16xi1>
    %unique3A_83, %unique3A_84 = tpu.scan_count mask(%broadcast_in_dim3A_82 : vector<16xi1>) value(%get3A_80 : vector<16xi32>) : vector<16xi1>, vector<16xi32>
    %gather3A_85 = tpu.vector_load_idx %arg8[%get3A_80] : memref<64xi32, #tpu.memory_space<vmem>>[vector<16xi32>], vector<16xi32>,
    %add3A_86 = arith.addi %gather3A_85, %unique3A_84 : vector<16xi32>
    tpu.vector_store_idx %arg8[%get3A_80], %add3A_86 masked %unique3A_83 : memref<64xi32, #tpu.memory_space<vmem>>[vector<16xi32>], vector<16xi32>, vector<16xi1>
    %add3A_87 = arith.addi %gather3A_85, %unique3A_84 : vector<16xi32>
    %sub3A_88 = arith.constant 1 : i32
    %sub3A_89 = vector.broadcast %sub3A_88 : i32 to vector<16xi32>
    %sub3A_90 = arith.subi %add3A_87, %sub3A_89 : vector<16xi32>
    %add3A_91 = arith.constant 4 : i32
    %add3A_92 = arith.addi %mul3A_21, %add3A_91 : i32
    %mul3A_93 = arith.constant 16 : i32
    %mul3A_94 = arith.muli %add3A_92, %mul3A_93 : i32
    %get3A_95 = arith.index_cast %mul3A_94 : i32 to index
    %get3A_96 = tpu.vector_load %arg7[%get3A_95] {strides = array<i32>} : memref<4096xi32, #tpu.memory_space<vmem>>, vector<16xi32>,
    %broadcast_in_dim3A_97 = arith.constant true
    %broadcast_in_dim3A_98 = vector.broadcast %broadcast_in_dim3A_97 : i1 to vector<16xi1>
    %unique3A_99, %unique3A_100 = tpu.scan_count mask(%broadcast_in_dim3A_98 : vector<16xi1>) value(%get3A_96 : vector<16xi32>) : vector<16xi1>, vector<16xi32>
    %gather3A_101 = tpu.vector_load_idx %arg8[%get3A_96] : memref<64xi32, #tpu.memory_space<vmem>>[vector<16xi32>], vector<16xi32>,
    %add3A_102 = arith.addi %gather3A_101, %unique3A_100 : vector<16xi32>
    tpu.vector_store_idx %arg8[%get3A_96], %add3A_102 masked %unique3A_99 : memref<64xi32, #tpu.memory_space<vmem>>[vector<16xi32>], vector<16xi32>, vector<16xi1>
    %add3A_103 = arith.addi %gather3A_101, %unique3A_100 : vector<16xi32>
    %sub3A_104 = arith.constant 1 : i32
    %sub3A_105 = vector.broadcast %sub3A_104 : i32 to vector<16xi32>
    %sub3A_106 = arith.subi %add3A_103, %sub3A_105 : vector<16xi32>
    %add3A_107 = arith.constant 5 : i32
    %add3A_108 = arith.addi %mul3A_21, %add3A_107 : i32
    %mul3A_109 = arith.constant 16 : i32
    %mul3A_110 = arith.muli %add3A_108, %mul3A_109 : i32
    %get3A_111 = arith.index_cast %mul3A_110 : i32 to index
    %get3A_112 = tpu.vector_load %arg7[%get3A_111] {strides = array<i32>} : memref<4096xi32, #tpu.memory_space<vmem>>, vector<16xi32>,
    %broadcast_in_dim3A_113 = arith.constant true
    %broadcast_in_dim3A_114 = vector.broadcast %broadcast_in_dim3A_113 : i1 to vector<16xi1>
    %unique3A_115, %unique3A_116 = tpu.scan_count mask(%broadcast_in_dim3A_114 : vector<16xi1>) value(%get3A_112 : vector<16xi32>) : vector<16xi1>, vector<16xi32>
    %gather3A_117 = tpu.vector_load_idx %arg8[%get3A_112] : memref<64xi32, #tpu.memory_space<vmem>>[vector<16xi32>], vector<16xi32>,
    %add3A_118 = arith.addi %gather3A_117, %unique3A_116 : vector<16xi32>
    tpu.vector_store_idx %arg8[%get3A_112], %add3A_118 masked %unique3A_115 : memref<64xi32, #tpu.memory_space<vmem>>[vector<16xi32>], vector<16xi32>, vector<16xi1>
    %add3A_119 = arith.addi %gather3A_117, %unique3A_116 : vector<16xi32>
    %sub3A_120 = arith.constant 1 : i32
    %sub3A_121 = vector.broadcast %sub3A_120 : i32 to vector<16xi32>
    %sub3A_122 = arith.subi %add3A_119, %sub3A_121 : vector<16xi32>
    %add3A_123 = arith.constant 6 : i32
    %add3A_124 = arith.addi %mul3A_21, %add3A_123 : i32
    %mul3A_125 = arith.constant 16 : i32
    %mul3A_126 = arith.muli %add3A_124, %mul3A_125 : i32
    %get3A_127 = arith.index_cast %mul3A_126 : i32 to index
    %get3A_128 = tpu.vector_load %arg7[%get3A_127] {strides = array<i32>} : memref<4096xi32, #tpu.memory_space<vmem>>, vector<16xi32>,
    %broadcast_in_dim3A_129 = arith.constant true
    %broadcast_in_dim3A_130 = vector.broadcast %broadcast_in_dim3A_129 : i1 to vector<16xi1>
    %unique3A_131, %unique3A_132 = tpu.scan_count mask(%broadcast_in_dim3A_130 : vector<16xi1>) value(%get3A_128 : vector<16xi32>) : vector<16xi1>, vector<16xi32>
    %gather3A_133 = tpu.vector_load_idx %arg8[%get3A_128] : memref<64xi32, #tpu.memory_space<vmem>>[vector<16xi32>], vector<16xi32>,
    %add3A_134 = arith.addi %gather3A_133, %unique3A_132 : vector<16xi32>
    tpu.vector_store_idx %arg8[%get3A_128], %add3A_134 masked %unique3A_131 : memref<64xi32, #tpu.memory_space<vmem>>[vector<16xi32>], vector<16xi32>, vector<16xi1>
    %add3A_135 = arith.addi %gather3A_133, %unique3A_132 : vector<16xi32>
    %sub3A_136 = arith.constant 1 : i32
    %sub3A_137 = vector.broadcast %sub3A_136 : i32 to vector<16xi32>
    %sub3A_138 = arith.subi %add3A_135, %sub3A_137 : vector<16xi32>
    %add3A_139 = arith.constant 7 : i32
    %add3A_140 = arith.addi %mul3A_21, %add3A_139 : i32
    %mul3A_141 = arith.constant 16 : i32
    %mul3A_142 = arith.muli %add3A_140, %mul3A_141 : i32
    %get3A_143 = arith.index_cast %mul3A_142 : i32 to index
    %get3A_144 = tpu.vector_load %arg7[%get3A_143] {strides = array<i32>} : memref<4096xi32, #tpu.memory_space<vmem>>, vector<16xi32>,
    %broadcast_in_dim3A_145 = arith.constant true
    %broadcast_in_dim3A_146 = vector.broadcast %broadcast_in_dim3A_145 : i1 to vector<16xi1>
    %unique3A_147, %unique3A_148 = tpu.scan_count mask(%broadcast_in_dim3A_146 : vector<16xi1>) value(%get3A_144 : vector<16xi32>) : vector<16xi1>, vector<16xi32>
    %gather3A_149 = tpu.vector_load_idx %arg8[%get3A_144] : memref<64xi32, #tpu.memory_space<vmem>>[vector<16xi32>], vector<16xi32>,
    %add3A_150 = arith.addi %gather3A_149, %unique3A_148 : vector<16xi32>
    tpu.vector_store_idx %arg8[%get3A_144], %add3A_150 masked %unique3A_147 : memref<64xi32, #tpu.memory_space<vmem>>[vector<16xi32>], vector<16xi32>, vector<16xi1>
    %add3A_151 = arith.addi %gather3A_149, %unique3A_148 : vector<16xi32>
    %sub3A_152 = arith.constant 1 : i32
    %sub3A_153 = vector.broadcast %sub3A_152 : i32 to vector<16xi32>
    %sub3A_154 = arith.subi %add3A_151, %sub3A_153 : vector<16xi32>
    %add3A_155 = arith.constant 8 : i32
    %add3A_156 = arith.addi %mul3A_21, %add3A_155 : i32
    %while3A_157 = arith.constant 0 : i32
    %while3A_158 = arith.constant 256 : i32
    %while3A_159 = arith.subi %while3A_158, %add3A_156 : i32
    %while3A_160 = arith.addi %add3A_156, %while3A_159 : i32
    %while3A_161 = arith.constant 1 : i32
    %while3A_162 = arith.divsi %while3A_159, %while3A_161 : i32
    %while3A_163 = arith.muli %while3A_162, %while3A_161 : i32
    %while3A_164 = arith.addi %add3A_156, %while3A_163 : i32
    %while3A_165 = arith.constant 1 : i32
    scf.for %while3A_309 = %add3A_156 to %while3A_164 step %while3A_165  : i32 {
      %mul3A_310 = arith.constant 16 : i32
      %mul3A_311 = arith.muli %while3A_309, %mul3A_310 : i32
      %get3A_312 = arith.index_cast %mul3A_311 : i32 to index
      %get3A_313 = tpu.vector_load %arg7[%get3A_312] {strides = array<i32>} : memref<4096xi32, #tpu.memory_space<vmem>>, vector<16xi32>,
      %broadcast_in_dim3A_314 = arith.constant true
      %broadcast_in_dim3A_315 = vector.broadcast %broadcast_in_dim3A_314 : i1 to vector<16xi1>
      %unique3A_316, %unique3A_317 = tpu.scan_count mask(%broadcast_in_dim3A_315 : vector<16xi1>) value(%get3A_313 : vector<16xi32>) : vector<16xi1>, vector<16xi32>
      %gather3A_318 = tpu.vector_load_idx %arg8[%get3A_313] : memref<64xi32, #tpu.memory_space<vmem>>[vector<16xi32>], vector<16xi32>,
      %add3A_319 = arith.addi %gather3A_318, %unique3A_317 : vector<16xi32>
      tpu.vector_store_idx %arg8[%get3A_313], %add3A_319 masked %unique3A_316 : memref<64xi32, #tpu.memory_space<vmem>>[vector<16xi32>], vector<16xi32>, vector<16xi1>
    }
    %while3A_166 = arith.constant 1 : i32
    scf.for %while3A_309 = %while3A_164 to %while3A_160 step %while3A_166  : i32 {
      %mul3A_310 = arith.constant 16 : i32
      %mul3A_311 = arith.muli %while3A_309, %mul3A_310 : i32
      %get3A_312 = arith.index_cast %mul3A_311 : i32 to index
      %get3A_313 = tpu.vector_load %arg7[%get3A_312] {strides = array<i32>} : memref<4096xi32, #tpu.memory_space<vmem>>, vector<16xi32>,
      %broadcast_in_dim3A_314 = arith.constant true
      %broadcast_in_dim3A_315 = vector.broadcast %broadcast_in_dim3A_314 : i1 to vector<16xi1>
      %unique3A_316, %unique3A_317 = tpu.scan_count mask(%broadcast_in_dim3A_315 : vector<16xi1>) value(%get3A_313 : vector<16xi32>) : vector<16xi1>, vector<16xi32>
      %gather3A_318 = tpu.vector_load_idx %arg8[%get3A_313] : memref<64xi32, #tpu.memory_space<vmem>>[vector<16xi32>], vector<16xi32>,
      %add3A_319 = arith.addi %gather3A_318, %unique3A_317 : vector<16xi32>
      tpu.vector_store_idx %arg8[%get3A_313], %add3A_319 masked %unique3A_316 : memref<64xi32, #tpu.memory_space<vmem>>[vector<16xi32>], vector<16xi32>, vector<16xi1>
    }
    %get3A_167 = arith.constant 0 : index
    %get3A_168 = tpu.vector_load %arg8[%get3A_167] {strides = array<i32>} : memref<64xi32, #tpu.memory_space<vmem>>, vector<16xi32>,
    %add3A_169 = arith.constant 7 : i32
    %add3A_170 = vector.broadcast %add3A_169 : i32 to vector<16xi32>
    %add3A_171 = arith.addi %get3A_168, %add3A_170 : vector<16xi32>
    %and3A = arith.constant -8 : i32
    %and3A_172 = vector.broadcast %and3A : i32 to vector<16xi32>
    %and3A_173 = arith.andi %add3A_171, %and3A_172 : vector<16xi32>
    %broadcast_in_dim3A_174 = arith.constant true
    %broadcast_in_dim3A_175 = vector.broadcast %broadcast_in_dim3A_174 : i1 to vector<16xi1>
    %masked_cumsum3A = tpu.scan <sum>, %and3A_173 masked %broadcast_in_dim3A_175 : vector<16xi32>, vector<16xi1> -> vector<16xi32>
    %sub3A_176 = arith.subi %masked_cumsum3A, %and3A_173 : vector<16xi32>
    %add3A_177 = arith.constant 0 : i32
    %add3A_178 = vector.broadcast %add3A_177 : i32 to vector<16xi32>
    %add3A_179 = arith.addi %sub3A_176, %add3A_178 : vector<16xi32>
    %swap3A_180 = arith.constant 0 : index
    %swap3A_181 = tpu.vector_load %arg9[%swap3A_180] {strides = array<i32>} : memref<64xi32, #tpu.memory_space<vmem>>, vector<16xi32>,
    tpu.vector_store %arg9[%swap3A_180], %add3A_179 {strides = array<i32>} : memref<64xi32, #tpu.memory_space<vmem>>, vector<16xi32>,
    %reduce_max3A = arith.constant true
    %reduce_max3A_182 = vector.broadcast %reduce_max3A : i1 to vector<16xi1>
    %reduce_max3A_183 = arith.constant -2147483648 : i32
    %reduce_max3A_184 = vector.broadcast %reduce_max3A_183 : i32 to vector<16xi32>
    %reduce_max3A_185 = arith.xori %masked_cumsum3A, %reduce_max3A_184 : vector<16xi32>
    %reduce_max3A_186 = tpu.scan <max>, %reduce_max3A_185 masked %reduce_max3A_182 : vector<16xi32>, vector<16xi1> -> vector<16xi32>
    %reduce_max3A_187 = arith.xori %reduce_max3A_186, %reduce_max3A_184 : vector<16xi32>
    %reduce_max3A_188 = vector.extract %reduce_max3A_187[15] : i32 from vector<16xi32>
    %add3A_189 = arith.constant 0 : i32
    %add3A_190 = arith.addi %add3A_189, %reduce_max3A_188 : i32
    %get3A_191 = arith.constant 16 : index
    %get3A_192 = tpu.vector_load %arg8[%get3A_191] {strides = array<i32>} : memref<64xi32, #tpu.memory_space<vmem>>, vector<16xi32>,
    %add3A_193 = arith.constant 7 : i32
    %add3A_194 = vector.broadcast %add3A_193 : i32 to vector<16xi32>
    %add3A_195 = arith.addi %get3A_192, %add3A_194 : vector<16xi32>
    %and3A_196 = arith.constant -8 : i32
    %and3A_197 = vector.broadcast %and3A_196 : i32 to vector<16xi32>
    %and3A_198 = arith.andi %add3A_195, %and3A_197 : vector<16xi32>
    %broadcast_in_dim3A_199 = arith.constant true
    %broadcast_in_dim3A_200 = vector.broadcast %broadcast_in_dim3A_199 : i1 to vector<16xi1>
    %masked_cumsum3A_201 = tpu.scan <sum>, %and3A_198 masked %broadcast_in_dim3A_200 : vector<16xi32>, vector<16xi1> -> vector<16xi32>
    %sub3A_202 = arith.subi %masked_cumsum3A_201, %and3A_198 : vector<16xi32>
    %add3A_203 = vector.broadcast %add3A_190 : i32 to vector<16xi32>
    %add3A_204 = arith.addi %sub3A_202, %add3A_203 : vector<16xi32>
    %swap3A_205 = arith.constant 16 : index
    %swap3A_206 = tpu.vector_load %arg9[%swap3A_205] {strides = array<i32>} : memref<64xi32, #tpu.memory_space<vmem>>, vector<16xi32>,
    tpu.vector_store %arg9[%swap3A_205], %add3A_204 {strides = array<i32>} : memref<64xi32, #tpu.memory_space<vmem>>, vector<16xi32>,
    %reduce_max3A_207 = arith.constant true
    %reduce_max3A_208 = vector.broadcast %reduce_max3A_207 : i1 to vector<16xi1>
    %reduce_max3A_209 = arith.constant -2147483648 : i32
    %reduce_max3A_210 = vector.broadcast %reduce_max3A_209 : i32 to vector<16xi32>
    %reduce_max3A_211 = arith.xori %masked_cumsum3A_201, %reduce_max3A_210 : vector<16xi32>
    %reduce_max3A_212 = tpu.scan <max>, %reduce_max3A_211 masked %reduce_max3A_208 : vector<16xi32>, vector<16xi1> -> vector<16xi32>
    %reduce_max3A_213 = arith.xori %reduce_max3A_212, %reduce_max3A_210 : vector<16xi32>
    %reduce_max3A_214 = vector.extract %reduce_max3A_213[15] : i32 from vector<16xi32>
    %add3A_215 = arith.addi %add3A_190, %reduce_max3A_214 : i32
    %get3A_216 = arith.constant 32 : index
    %get3A_217 = tpu.vector_load %arg8[%get3A_216] {strides = array<i32>} : memref<64xi32, #tpu.memory_space<vmem>>, vector<16xi32>,
    %add3A_218 = arith.constant 7 : i32
    %add3A_219 = vector.broadcast %add3A_218 : i32 to vector<16xi32>
    %add3A_220 = arith.addi %get3A_217, %add3A_219 : vector<16xi32>
    %and3A_221 = arith.constant -8 : i32
    %and3A_222 = vector.broadcast %and3A_221 : i32 to vector<16xi32>
    %and3A_223 = arith.andi %add3A_220, %and3A_222 : vector<16xi32>
    %broadcast_in_dim3A_224 = arith.constant true
    %broadcast_in_dim3A_225 = vector.broadcast %broadcast_in_dim3A_224 : i1 to vector<16xi1>
    %masked_cumsum3A_226 = tpu.scan <sum>, %and3A_223 masked %broadcast_in_dim3A_225 : vector<16xi32>, vector<16xi1> -> vector<16xi32>
    %sub3A_227 = arith.subi %masked_cumsum3A_226, %and3A_223 : vector<16xi32>
    %add3A_228 = vector.broadcast %add3A_215 : i32 to vector<16xi32>
    %add3A_229 = arith.addi %sub3A_227, %add3A_228 : vector<16xi32>
    %swap3A_230 = arith.constant 32 : index
    %swap3A_231 = tpu.vector_load %arg9[%swap3A_230] {strides = array<i32>} : memref<64xi32, #tpu.memory_space<vmem>>, vector<16xi32>,
    tpu.vector_store %arg9[%swap3A_230], %add3A_229 {strides = array<i32>} : memref<64xi32, #tpu.memory_space<vmem>>, vector<16xi32>,
    %reduce_max3A_232 = arith.constant true
    %reduce_max3A_233 = vector.broadcast %reduce_max3A_232 : i1 to vector<16xi1>
    %reduce_max3A_234 = arith.constant -2147483648 : i32
    %reduce_max3A_235 = vector.broadcast %reduce_max3A_234 : i32 to vector<16xi32>
    %reduce_max3A_236 = arith.xori %masked_cumsum3A_226, %reduce_max3A_235 : vector<16xi32>
    %reduce_max3A_237 = tpu.scan <max>, %reduce_max3A_236 masked %reduce_max3A_233 : vector<16xi32>, vector<16xi1> -> vector<16xi32>
    %reduce_max3A_238 = arith.xori %reduce_max3A_237, %reduce_max3A_235 : vector<16xi32>
    %reduce_max3A_239 = vector.extract %reduce_max3A_238[15] : i32 from vector<16xi32>
    %add3A_240 = arith.addi %add3A_215, %reduce_max3A_239 : i32
    %get3A_241 = arith.constant 48 : index
    %get3A_242 = tpu.vector_load %arg8[%get3A_241] {strides = array<i32>} : memref<64xi32, #tpu.memory_space<vmem>>, vector<16xi32>,
    %add3A_243 = arith.constant 7 : i32
    %add3A_244 = vector.broadcast %add3A_243 : i32 to vector<16xi32>
    %add3A_245 = arith.addi %get3A_242, %add3A_244 : vector<16xi32>
    %and3A_246 = arith.constant -8 : i32
    %and3A_247 = vector.broadcast %and3A_246 : i32 to vector<16xi32>
    %and3A_248 = arith.andi %add3A_245, %and3A_247 : vector<16xi32>
    %broadcast_in_dim3A_249 = arith.constant true
    %broadcast_in_dim3A_250 = vector.broadcast %broadcast_in_dim3A_249 : i1 to vector<16xi1>
    %masked_cumsum3A_251 = tpu.scan <sum>, %and3A_248 masked %broadcast_in_dim3A_250 : vector<16xi32>, vector<16xi1> -> vector<16xi32>
    %sub3A_252 = arith.subi %masked_cumsum3A_251, %and3A_248 : vector<16xi32>
    %add3A_253 = vector.broadcast %add3A_240 : i32 to vector<16xi32>
    %add3A_254 = arith.addi %sub3A_252, %add3A_253 : vector<16xi32>
    %swap3A_255 = arith.constant 48 : index
    %swap3A_256 = tpu.vector_load %arg9[%swap3A_255] {strides = array<i32>} : memref<64xi32, #tpu.memory_space<vmem>>, vector<16xi32>,
    tpu.vector_store %arg9[%swap3A_255], %add3A_254 {strides = array<i32>} : memref<64xi32, #tpu.memory_space<vmem>>, vector<16xi32>,
    %reduce_max3A_257 = arith.constant true
    %reduce_max3A_258 = vector.broadcast %reduce_max3A_257 : i1 to vector<16xi1>
    %reduce_max3A_259 = arith.constant -2147483648 : i32
    %reduce_max3A_260 = vector.broadcast %reduce_max3A_259 : i32 to vector<16xi32>
    %reduce_max3A_261 = arith.xori %masked_cumsum3A_251, %reduce_max3A_260 : vector<16xi32>
    %reduce_max3A_262 = tpu.scan <max>, %reduce_max3A_261 masked %reduce_max3A_258 : vector<16xi32>, vector<16xi1> -> vector<16xi32>
    %reduce_max3A_263 = arith.xori %reduce_max3A_262, %reduce_max3A_260 : vector<16xi32>
    %reduce_max3A_264 = vector.extract %reduce_max3A_263[15] : i32 from vector<16xi32>
    %add3A_265 = arith.addi %add3A_240, %reduce_max3A_264 : i32
    %gather3A_266 = tpu.vector_load_idx %arg9[%get3A_35] : memref<64xi32, #tpu.memory_space<vmem>>[vector<16xi32>], vector<16xi32>,
    %add3A_267 = arith.addi %gather3A_266, %sub3A_42 : vector<16xi32>
    %swap3A_268 = arith.constant 0 : index
    %swap3A_269 = tpu.vector_load %arg10[%swap3A_268] {strides = array<i32>} : memref<128xi32, #tpu.memory_space<vmem>>, vector<16xi32>,
    tpu.vector_store %arg10[%swap3A_268], %add3A_267 {strides = array<i32>} : memref<128xi32, #tpu.memory_space<vmem>>, vector<16xi32>,
    %gather3A_270 = tpu.vector_load_idx %arg9[%get3A_48] : memref<64xi32, #tpu.memory_space<vmem>>[vector<16xi32>], vector<16xi32>,
    %add3A_271 = arith.addi %gather3A_270, %sub3A_58 : vector<16xi32>
    %swap3A_272 = arith.constant 16 : index
    %swap3A_273 = tpu.vector_load %arg10[%swap3A_272] {strides = array<i32>} : memref<128xi32, #tpu.memory_space<vmem>>, vector<16xi32>,
    tpu.vector_store %arg10[%swap3A_272], %add3A_271 {strides = array<i32>} : memref<128xi32, #tpu.memory_space<vmem>>, vector<16xi32>,
    %gather3A_274 = tpu.vector_load_idx %arg9[%get3A_64] : memref<64xi32, #tpu.memory_space<vmem>>[vector<16xi32>], vector<16xi32>,
    %add3A_275 = arith.addi %gather3A_274, %sub3A_74 : vector<16xi32>
    %swap3A_276 = arith.constant 32 : index
    %swap3A_277 = tpu.vector_load %arg10[%swap3A_276] {strides = array<i32>} : memref<128xi32, #tpu.memory_space<vmem>>, vector<16xi32>,
    tpu.vector_store %arg10[%swap3A_276], %add3A_275 {strides = array<i32>} : memref<128xi32, #tpu.memory_space<vmem>>, vector<16xi32>,
    %gather3A_278 = tpu.vector_load_idx %arg9[%get3A_80] : memref<64xi32, #tpu.memory_space<vmem>>[vector<16xi32>], vector<16xi32>,
    %add3A_279 = arith.addi %gather3A_278, %sub3A_90 : vector<16xi32>
    %swap3A_280 = arith.constant 48 : index
    %swap3A_281 = tpu.vector_load %arg10[%swap3A_280] {strides = array<i32>} : memref<128xi32, #tpu.memory_space<vmem>>, vector<16xi32>,
    tpu.vector_store %arg10[%swap3A_280], %add3A_279 {strides = array<i32>} : memref<128xi32, #tpu.memory_space<vmem>>, vector<16xi32>,
    %gather3A_282 = tpu.vector_load_idx %arg9[%get3A_96] : memref<64xi32, #tpu.memory_space<vmem>>[vector<16xi32>], vector<16xi32>,
    %add3A_283 = arith.addi %gather3A_282, %sub3A_106 : vector<16xi32>
    %swap3A_284 = arith.constant 64 : index
    %swap3A_285 = tpu.vector_load %arg10[%swap3A_284] {strides = array<i32>} : memref<128xi32, #tpu.memory_space<vmem>>, vector<16xi32>,
    tpu.vector_store %arg10[%swap3A_284], %add3A_283 {strides = array<i32>} : memref<128xi32, #tpu.memory_space<vmem>>, vector<16xi32>,
    %gather3A_286 = tpu.vector_load_idx %arg9[%get3A_112] : memref<64xi32, #tpu.memory_space<vmem>>[vector<16xi32>], vector<16xi32>,
    %add3A_287 = arith.addi %gather3A_286, %sub3A_122 : vector<16xi32>
    %swap3A_288 = arith.constant 80 : index
    %swap3A_289 = tpu.vector_load %arg10[%swap3A_288] {strides = array<i32>} : memref<128xi32, #tpu.memory_space<vmem>>, vector<16xi32>,
    tpu.vector_store %arg10[%swap3A_288], %add3A_287 {strides = array<i32>} : memref<128xi32, #tpu.memory_space<vmem>>, vector<16xi32>,
    %gather3A_290 = tpu.vector_load_idx %arg9[%get3A_128] : memref<64xi32, #tpu.memory_space<vmem>>[vector<16xi32>], vector<16xi32>,
    %add3A_291 = arith.addi %gather3A_290, %sub3A_138 : vector<16xi32>
    %swap3A_292 = arith.constant 96 : index
    %swap3A_293 = tpu.vector_load %arg10[%swap3A_292] {strides = array<i32>} : memref<128xi32, #tpu.memory_space<vmem>>, vector<16xi32>,
    tpu.vector_store %arg10[%swap3A_292], %add3A_291 {strides = array<i32>} : memref<128xi32, #tpu.memory_space<vmem>>, vector<16xi32>,
    %gather3A_294 = tpu.vector_load_idx %arg9[%get3A_144] : memref<64xi32, #tpu.memory_space<vmem>>[vector<16xi32>], vector<16xi32>,
    %add3A_295 = arith.addi %gather3A_294, %sub3A_154 : vector<16xi32>
    %swap3A_296 = arith.constant 112 : index
    %swap3A_297 = tpu.vector_load %arg10[%swap3A_296] {strides = array<i32>} : memref<128xi32, #tpu.memory_space<vmem>>, vector<16xi32>,
    tpu.vector_store %arg10[%swap3A_296], %add3A_295 {strides = array<i32>} : memref<128xi32, #tpu.memory_space<vmem>>, vector<16xi32>,
    %dma_wait3A = arith.constant 0 : i32
    %dma_wait3A_298 = tpu.memref_slice %arg3[%mul3A_2, %dma_wait3A] : memref<4096x768xf32, #tpu.memory_space<hbm>> -> memref<128x768xf32, #tpu.memory_space<hbm>>
    %dma_wait3A_299 = arith.constant 0 : i32
    %dma_wait3A_300 = tpu.memref_slice %arg3[%mul3A_2, %dma_wait3A_299] : memref<4096x768xf32, #tpu.memory_space<hbm>> -> memref<128x768xf32, #tpu.memory_space<hbm>>
    tpu.wait_dma2 semaphore(%arg13 : memref<!tpu.dma_semaphore, #tpu.memory_space<semaphore_mem>>) src(%dma_wait3A_300 : memref<128x768xf32, #tpu.memory_space<hbm>>) dst(%arg11 : memref<128x768xf32, #tpu.memory_space<vmem>>)
    %dma_start3A_301 = arith.constant 0 : i32
    %dma_start3A_302 = arith.constant 0 : i32
    %dma_start3A_303 = tpu.memref_slice %arg4[%dma_start3A_301, %dma_start3A_302] : memref<4864x768xf32, #tpu.memory_space<hbm>> -> memref<4864x768xf32, #tpu.memory_space<hbm>>
    tpu.enqueue_indirect_dma source(%arg11 : memref<128x768xf32, #tpu.memory_space<vmem>>) target(%dma_start3A_303 : memref<4864x768xf32, #tpu.memory_space<hbm>>) offsets(%arg10 : memref<128xi32, #tpu.memory_space<vmem>>) semaphore(%arg12 : memref<!tpu.dma_semaphore, #tpu.memory_space<semaphore_mem>>)
    "tpu.region"() ({
      %run_scoped3A = tpu.sem_alloc : memref<!tpu.dma_semaphore, #tpu.memory_space<semaphore_mem>>
      %dma_start3A_309 = tpu.memref_slice %arg5[%mul3A_2] : memref<4096xi32, #tpu.memory_space<hbm>> -> memref<128xi32, #tpu.memory_space<hbm>>
      %dma_start3A_310 = tpu.memref_slice %arg5[%mul3A_2] : memref<4096xi32, #tpu.memory_space<hbm>> -> memref<128xi32, #tpu.memory_space<hbm>>
      tpu.enqueue_dma source(%arg10 : memref<128xi32, #tpu.memory_space<vmem>>) target(%dma_start3A_310 : memref<128xi32, #tpu.memory_space<hbm>>) target_semaphore(%run_scoped3A : memref<!tpu.dma_semaphore, #tpu.memory_space<semaphore_mem>>)
      %dma_wait3A_311 = tpu.memref_slice %arg5[%mul3A_2] : memref<4096xi32, #tpu.memory_space<hbm>> -> memref<128xi32, #tpu.memory_space<hbm>>
      %dma_wait3A_312 = tpu.memref_slice %arg5[%mul3A_2] : memref<4096xi32, #tpu.memory_space<hbm>> -> memref<128xi32, #tpu.memory_space<hbm>>
      tpu.wait_dma2 semaphore(%run_scoped3A : memref<!tpu.dma_semaphore, #tpu.memory_space<semaphore_mem>>) src(%arg10 : memref<128xi32, #tpu.memory_space<vmem>>) dst(%dma_wait3A_312 : memref<128xi32, #tpu.memory_space<hbm>>)
      tpu.yield
    }) : () -> ()
    %eq3A = arith.constant 0 : i32
    %eq3A_304 = arith.cmpi eq, %add3A, %eq3A : i32
    %convert_element_type3A = arith.extui %eq3A_304 : i1 to i32
    %cond3A = arith.constant 0 : i32
    %cond3A_305 = arith.cmpi ne, %convert_element_type3A, %cond3A : i32
    scf.if %cond3A_305 {
      %run_scoped3A = arith.constant 0 : i32
      "tpu.region"() ({
        %run_scoped3A_310 = tpu.sem_alloc : memref<!tpu.dma_semaphore, #tpu.memory_space<semaphore_mem>>
        %dma_start3A_311 = arith.constant 0 : i32
        %dma_start3A_312 = tpu.memref_slice %arg6[%run_scoped3A, %dma_start3A_311] : memref<2x64xi32, #tpu.memory_space<hbm>> -> memref<1x64xi32, #tpu.memory_space<hbm>>
        %dma_start3A_313 = tpu.memref_squeeze %dma_start3A_312 : memref<1x64xi32, #tpu.memory_space<hbm>> -> memref<64xi32, #tpu.memory_space<hbm>>
        %dma_start3A_314 = arith.constant 0 : i32
        %dma_start3A_315 = tpu.memref_slice %arg6[%run_scoped3A, %dma_start3A_314] : memref<2x64xi32, #tpu.memory_space<hbm>> -> memref<1x64xi32, #tpu.memory_space<hbm>>
        %dma_start3A_316 = tpu.memref_squeeze %dma_start3A_315 : memref<1x64xi32, #tpu.memory_space<hbm>> -> memref<64xi32, #tpu.memory_space<hbm>>
        tpu.enqueue_dma source(%arg9 : memref<64xi32, #tpu.memory_space<vmem>>) target(%dma_start3A_316 : memref<64xi32, #tpu.memory_space<hbm>>) target_semaphore(%run_scoped3A_310 : memref<!tpu.dma_semaphore, #tpu.memory_space<semaphore_mem>>)
        %dma_wait3A_317 = arith.constant 0 : i32
        %dma_wait3A_318 = tpu.memref_slice %arg6[%run_scoped3A, %dma_wait3A_317] : memref<2x64xi32, #tpu.memory_space<hbm>> -> memref<1x64xi32, #tpu.memory_space<hbm>>
        %dma_wait3A_319 = tpu.memref_squeeze %dma_wait3A_318 : memref<1x64xi32, #tpu.memory_space<hbm>> -> memref<64xi32, #tpu.memory_space<hbm>>
        %dma_wait3A_320 = arith.constant 0 : i32
        %dma_wait3A_321 = tpu.memref_slice %arg6[%run_scoped3A, %dma_wait3A_320] : memref<2x64xi32, #tpu.memory_space<hbm>> -> memref<1x64xi32, #tpu.memory_space<hbm>>
        %dma_wait3A_322 = tpu.memref_squeeze %dma_wait3A_321 : memref<1x64xi32, #tpu.memory_space<hbm>> -> memref<64xi32, #tpu.memory_space<hbm>>
        tpu.wait_dma2 semaphore(%run_scoped3A_310 : memref<!tpu.dma_semaphore, #tpu.memory_space<semaphore_mem>>) src(%arg9 : memref<64xi32, #tpu.memory_space<vmem>>) dst(%dma_wait3A_322 : memref<64xi32, #tpu.memory_space<hbm>>)
        tpu.yield
      }) : () -> ()
      %run_scoped3A_309 = arith.constant 1 : i32
      "tpu.region"() ({
        %run_scoped3A_310 = tpu.sem_alloc : memref<!tpu.dma_semaphore, #tpu.memory_space<semaphore_mem>>
        %dma_start3A_311 = arith.constant 0 : i32
        %dma_start3A_312 = tpu.memref_slice %arg6[%run_scoped3A_309, %dma_start3A_311] : memref<2x64xi32, #tpu.memory_space<hbm>> -> memref<1x64xi32, #tpu.memory_space<hbm>>
        %dma_start3A_313 = tpu.memref_squeeze %dma_start3A_312 : memref<1x64xi32, #tpu.memory_space<hbm>> -> memref<64xi32, #tpu.memory_space<hbm>>
        %dma_start3A_314 = arith.constant 0 : i32
        %dma_start3A_315 = tpu.memref_slice %arg6[%run_scoped3A_309, %dma_start3A_314] : memref<2x64xi32, #tpu.memory_space<hbm>> -> memref<1x64xi32, #tpu.memory_space<hbm>>
        %dma_start3A_316 = tpu.memref_squeeze %dma_start3A_315 : memref<1x64xi32, #tpu.memory_space<hbm>> -> memref<64xi32, #tpu.memory_space<hbm>>
        tpu.enqueue_dma source(%arg8 : memref<64xi32, #tpu.memory_space<vmem>>) target(%dma_start3A_316 : memref<64xi32, #tpu.memory_space<hbm>>) target_semaphore(%run_scoped3A_310 : memref<!tpu.dma_semaphore, #tpu.memory_space<semaphore_mem>>)
        %dma_wait3A_317 = arith.constant 0 : i32
        %dma_wait3A_318 = tpu.memref_slice %arg6[%run_scoped3A_309, %dma_wait3A_317] : memref<2x64xi32, #tpu.memory_space<hbm>> -> memref<1x64xi32, #tpu.memory_space<hbm>>
        %dma_wait3A_319 = tpu.memref_squeeze %dma_wait3A_318 : memref<1x64xi32, #tpu.memory_space<hbm>> -> memref<64xi32, #tpu.memory_space<hbm>>
        %dma_wait3A_320 = arith.constant 0 : i32
        %dma_wait3A_321 = tpu.memref_slice %arg6[%run_scoped3A_309, %dma_wait3A_320] : memref<2x64xi32, #tpu.memory_space<hbm>> -> memref<1x64xi32, #tpu.memory_space<hbm>>
        %dma_wait3A_322 = tpu.memref_squeeze %dma_wait3A_321 : memref<1x64xi32, #tpu.memory_space<hbm>> -> memref<64xi32, #tpu.memory_space<hbm>>
        tpu.wait_dma2 semaphore(%run_scoped3A_310 : memref<!tpu.dma_semaphore, #tpu.memory_space<semaphore_mem>>) src(%arg8 : memref<64xi32, #tpu.memory_space<vmem>>) dst(%dma_wait3A_322 : memref<64xi32, #tpu.memory_space<hbm>>)
        tpu.yield
      }) : () -> ()
    } else {
    }
    %dma_wait3A_306 = arith.constant 0 : i32
    %dma_wait3A_307 = arith.constant 0 : i32
    %dma_wait3A_308 = tpu.memref_slice %arg4[%dma_wait3A_306, %dma_wait3A_307] : memref<4864x768xf32, #tpu.memory_space<hbm>> -> memref<4864x768xf32, #tpu.memory_space<hbm>>
    tpu.wait_indirect_dma semaphore(%arg12 : memref<!tpu.dma_semaphore, #tpu.memory_space<semaphore_mem>>) src(%arg11 : memref<128x768xf32, #tpu.memory_space<vmem>>) dst(%dma_wait3A_308 : memref<4864x768xf32, #tpu.memory_space<hbm>>)
    return
  }
}

#map = affine_map<(d0, d1) -> (0)>
#map1 = affine_map<(d0, d1) -> (0, 0)>
module attributes {stable_mosaic.version = 14 : i64} {
  func.func @gather_k(%arg0: i32, %arg1: i32, %arg2: memref<4096xi32, #tpu.memory_space<hbm>>, %arg3: memref<4864x768xf32, #tpu.memory_space<hbm>>, %arg4: memref<4096x768xf32, #tpu.memory_space<hbm>>, %arg5: memref<128xi32, #tpu.memory_space<vmem>>, %arg6: memref<128x768xf32, #tpu.memory_space<vmem>>, %arg7: memref<!tpu.dma_semaphore, #tpu.memory_space<semaphore_mem>>) attributes {dimension_semantics = [#tpu.dimension_semantics<core_parallel>, #tpu.dimension_semantics<subcore_parallel>], iteration_bounds = array<i64: 2, 16>, scalar_prefetch = 0 : i64, scratch_operands = 3 : i64, tpu.core_type = #tpu.core_type<sc_vector_subcore>, window_params = [{transform_indices = #map}, {transform_indices = #map1}, {transform_indices = #map1}]} {
    %mul3A = arith.constant 2 : i32
    %mul3A_0 = arith.muli %arg1, %mul3A : i32
    %add3A = arith.addi %mul3A_0, %arg0 : i32
    %mul3A_1 = arith.constant 128 : i32
    %mul3A_2 = arith.muli %add3A, %mul3A_1 : i32
    "tpu.region"() ({
      %run_scoped3A = tpu.sem_alloc : memref<!tpu.dma_semaphore, #tpu.memory_space<semaphore_mem>>
      %dma_start3A_7 = tpu.memref_slice %arg2[%mul3A_2] : memref<4096xi32, #tpu.memory_space<hbm>> -> memref<128xi32, #tpu.memory_space<hbm>>
      %dma_start3A_8 = tpu.memref_slice %arg2[%mul3A_2] : memref<4096xi32, #tpu.memory_space<hbm>> -> memref<128xi32, #tpu.memory_space<hbm>>
      tpu.enqueue_dma source(%dma_start3A_8 : memref<128xi32, #tpu.memory_space<hbm>>) target(%arg5 : memref<128xi32, #tpu.memory_space<vmem>>) target_semaphore(%run_scoped3A : memref<!tpu.dma_semaphore, #tpu.memory_space<semaphore_mem>>)
      %dma_wait3A_9 = tpu.memref_slice %arg2[%mul3A_2] : memref<4096xi32, #tpu.memory_space<hbm>> -> memref<128xi32, #tpu.memory_space<hbm>>
      %dma_wait3A_10 = tpu.memref_slice %arg2[%mul3A_2] : memref<4096xi32, #tpu.memory_space<hbm>> -> memref<128xi32, #tpu.memory_space<hbm>>
      tpu.wait_dma2 semaphore(%run_scoped3A : memref<!tpu.dma_semaphore, #tpu.memory_space<semaphore_mem>>) src(%dma_wait3A_10 : memref<128xi32, #tpu.memory_space<hbm>>) dst(%arg5 : memref<128xi32, #tpu.memory_space<vmem>>)
      tpu.yield
    }) : () -> ()
    %dma_start3A = arith.constant 0 : i32
    %dma_start3A_3 = arith.constant 0 : i32
    %dma_start3A_4 = tpu.memref_slice %arg3[%dma_start3A, %dma_start3A_3] : memref<4864x768xf32, #tpu.memory_space<hbm>> -> memref<4864x768xf32, #tpu.memory_space<hbm>>
    tpu.enqueue_indirect_dma source(%dma_start3A_4 : memref<4864x768xf32, #tpu.memory_space<hbm>>) target(%arg6 : memref<128x768xf32, #tpu.memory_space<vmem>>) offsets(%arg5 : memref<128xi32, #tpu.memory_space<vmem>>) semaphore(%arg7 : memref<!tpu.dma_semaphore, #tpu.memory_space<semaphore_mem>>)
    %dma_wait3A = arith.constant 0 : i32
    %dma_wait3A_5 = arith.constant 0 : i32
    %dma_wait3A_6 = tpu.memref_slice %arg3[%dma_wait3A, %dma_wait3A_5] : memref<4864x768xf32, #tpu.memory_space<hbm>> -> memref<4864x768xf32, #tpu.memory_space<hbm>>
    tpu.wait_indirect_dma semaphore(%arg7 : memref<!tpu.dma_semaphore, #tpu.memory_space<semaphore_mem>>) src(%dma_wait3A_6 : memref<4864x768xf32, #tpu.memory_space<hbm>>) dst(%arg6 : memref<128x768xf32, #tpu.memory_space<vmem>>)
    "tpu.region"() ({
      %run_scoped3A = tpu.sem_alloc : memref<!tpu.dma_semaphore, #tpu.memory_space<semaphore_mem>>
      %dma_start3A_7 = arith.constant 0 : i32
      %dma_start3A_8 = tpu.memref_slice %arg4[%mul3A_2, %dma_start3A_7] : memref<4096x768xf32, #tpu.memory_space<hbm>> -> memref<128x768xf32, #tpu.memory_space<hbm>>
      %dma_start3A_9 = arith.constant 0 : i32
      %dma_start3A_10 = tpu.memref_slice %arg4[%mul3A_2, %dma_start3A_9] : memref<4096x768xf32, #tpu.memory_space<hbm>> -> memref<128x768xf32, #tpu.memory_space<hbm>>
      tpu.enqueue_dma source(%arg6 : memref<128x768xf32, #tpu.memory_space<vmem>>) target(%dma_start3A_10 : memref<128x768xf32, #tpu.memory_space<hbm>>) target_semaphore(%run_scoped3A : memref<!tpu.dma_semaphore, #tpu.memory_space<semaphore_mem>>)
      %dma_wait3A_11 = arith.constant 0 : i32
      %dma_wait3A_12 = tpu.memref_slice %arg4[%mul3A_2, %dma_wait3A_11] : memref<4096x768xf32, #tpu.memory_space<hbm>> -> memref<128x768xf32, #tpu.memory_space<hbm>>
      %dma_wait3A_13 = arith.constant 0 : i32
      %dma_wait3A_14 = tpu.memref_slice %arg4[%mul3A_2, %dma_wait3A_13] : memref<4096x768xf32, #tpu.memory_space<hbm>> -> memref<128x768xf32, #tpu.memory_space<hbm>>
      tpu.wait_dma2 semaphore(%run_scoped3A : memref<!tpu.dma_semaphore, #tpu.memory_space<semaphore_mem>>) src(%arg6 : memref<128x768xf32, #tpu.memory_space<vmem>>) dst(%dma_wait3A_14 : memref<128x768xf32, #tpu.memory_space<hbm>>)
      tpu.yield
    }) : () -> ()
    return
  }
}

module attributes {stable_mosaic.version = 14 : i64} {
  func.func @_router_body(%arg0: i32, %arg1: memref<512x768xf32, #tpu.memory_space<vmem>>, %arg2: memref<64x768xf32, #tpu.memory_space<vmem>>, %arg3: memref<1x1x512xi32, #tpu.memory_space<vmem>>) attributes {dimension_semantics = [#tpu.dimension_semantics<arbitrary>], iteration_bounds = array<i64: 8>, scalar_prefetch = 0 : i64, scratch_operands = 0 : i64, tpu.core_type = #tpu.core_type<tc>, window_params = [{transform_indices = @transform_0, window_bounds = array<i64: 512, 768>}, {pipeline_mode = #tpu.pipeline_mode<synchronous>, transform_indices = @transform_1, window_bounds = array<i64: 64, 768>}, {transform_indices = @transform_2, window_bounds = array<i64: 1, 1, 512>}]} {
    %get3A = arith.constant 0 : index
    %get3A_0 = arith.constant 0 : index
    %get3A_1 = vector.load %arg1[%get3A, %get3A_0] : memref<512x768xf32, #tpu.memory_space<vmem>>, vector<512x768xf32>
    %get3A_2 = arith.constant 0 : index
    %get3A_3 = arith.constant 0 : index
    %get3A_4 = vector.load %arg2[%get3A_2, %get3A_3] : memref<64x768xf32, #tpu.memory_space<vmem>>, vector<64x768xf32>
    %dot_general3A = arith.constant dense<0.000000e+00> : vector<512x64xf32>
    %dot_general3A_5 = tpu.matmul %get3A_1, %get3A_4, %dot_general3A {dimension_numbers = #tpu.dot_dimension_numbers<[1], [1], [0], [0], [0, 0, 1, 0], [], []>, transpose_lhs_hint = false} : vector<512x768xf32>, vector<64x768xf32>, vector<512x64xf32> -> vector<512x64xf32>
    %reduce_max3A = arith.constant dense<0xFF800000> : vector<512xf32>
    %reduce_max3A_6 = vector.multi_reduction <maximumf>, %dot_general3A_5, %reduce_max3A [1] : vector<512x64xf32> to vector<512xf32>
    %broadcast_in_dim3A = vector.shape_cast %reduce_max3A_6 : vector<512xf32> to vector<512x1xf32>
    %iota3A = tpu.iota {dimensions = array<i32: 1>} : vector<512x64xi32>
    %ge3A = vector.broadcast %broadcast_in_dim3A : vector<512x1xf32> to vector<512x64xf32>
    %ge3A_7 = arith.cmpf oge, %dot_general3A_5, %ge3A : vector<512x64xf32>
    %jit3A = arith.constant 64 : i32
    %broadcast_in_dim3A_8 = vector.broadcast %jit3A : i32 to vector<512x64xi32>
    %select_n3A = arith.select %ge3A_7, %iota3A, %broadcast_in_dim3A_8 : vector<512x64xi1>, vector<512x64xi32>
    %reduce_min3A = arith.constant dense<2147483647> : vector<512xi32>
    %reduce_min3A_9 = vector.multi_reduction <minsi>, %select_n3A, %reduce_min3A [1] : vector<512x64xi32> to vector<512xi32>
    %swap3A = arith.constant 0 : index
    %swap3A_10 = arith.constant 0 : index
    %swap3A_11 = arith.constant 0 : index
    %swap3A_12 = vector.load %arg3[%swap3A, %swap3A_10, %swap3A_11] : memref<1x1x512xi32, #tpu.memory_space<vmem>>, vector<1x1x512xi32>
    %swap3A_13 = vector.shape_cast %swap3A_12 : vector<1x1x512xi32> to vector<512xi32>
    %swap3A_14 = vector.shape_cast %reduce_min3A_9 : vector<512xi32> to vector<1x1x512xi32>
    tpu.vector_store %arg3[%swap3A, %swap3A_10, %swap3A_11], %swap3A_14 {strides = array<i32>} : memref<1x1x512xi32, #tpu.memory_space<vmem>>, vector<1x1x512xi32>,
    return
  }
  func.func @transform_0(%arg0: i32) -> (i32, i32) {
    %c0_i32 = arith.constant 0 : i32
    %c0_i32_0 = arith.constant 0 : i32
    return %arg0, %c0_i32 : i32, i32
  }
  func.func @transform_1(%arg0: i32) -> (i32, i32) {
    %c0_i32 = arith.constant 0 : i32
    %c0_i32_0 = arith.constant 0 : i32
    %c0_i32_1 = arith.constant 0 : i32
    return %c0_i32, %c0_i32_0 : i32, i32
  }
  func.func @transform_2(%arg0: i32) -> (i32, i32, i32) {
    %c0_i32 = arith.constant 0 : i32
    %c0_i32_0 = arith.constant 0 : i32
    %c0_i32_1 = arith.constant 0 : i32
    return %arg0, %c0_i32, %c0_i32_0 : i32, i32, i32
  }
}

module attributes {stable_mosaic.version = 14 : i64} {
  func.func @_ffn_body(%arg0: i32, %arg1: memref<2x64xi32, #tpu.memory_space<smem>>, %arg2: memref<4864x768xf32, #tpu.memory_space<vmem>>, %arg3: memref<1x768x768xf32, #tpu.memory_space<vmem>>, %arg4: memref<1x768x768xf32, #tpu.memory_space<vmem>>, %arg5: memref<1x768x768xf32, #tpu.memory_space<vmem>>, %arg6: memref<4864x768xf32, #tpu.memory_space<vmem>>) attributes {dimension_semantics = [#tpu.dimension_semantics<arbitrary>], iteration_bounds = array<i64: 64>, scalar_prefetch = 1 : i64, scratch_operands = 0 : i64, tpu.core_type = #tpu.core_type<tc>, window_params = [{pipeline_mode = #tpu.pipeline_mode<synchronous>, transform_indices = @transform_0, window_bounds = array<i64: 4864, 768>}, {transform_indices = @transform_1, window_bounds = array<i64: 1, 768, 768>}, {transform_indices = @transform_2, window_bounds = array<i64: 1, 768, 768>}, {transform_indices = @transform_3, window_bounds = array<i64: 1, 768, 768>}, {pipeline_mode = #tpu.pipeline_mode<synchronous>, transform_indices = @transform_4, window_bounds = array<i64: 4864, 768>}]} {
    %get3A = arith.constant 0 : index
    %get3A_0 = arith.index_cast %arg0 : i32 to index
    %get3A_1 = memref.load %arg1[%get3A, %get3A_0] : memref<2x64xi32, #tpu.memory_space<smem>>
    %get3A_2 = arith.constant 1 : index
    %get3A_3 = arith.index_cast %arg0 : i32 to index
    %get3A_4 = memref.load %arg1[%get3A_2, %get3A_3] : memref<2x64xi32, #tpu.memory_space<smem>>
    %add3A = arith.constant 128 : i32
    %add3A_5 = arith.addi %get3A_4, %add3A : i32
    %sub3A = arith.constant 1 : i32
    %sub3A_6 = arith.subi %add3A_5, %sub3A : i32
    %div3A = arith.constant 128 : i32
    %div3A_7 = arith.divsi %sub3A_6, %div3A : i32
    %sub3A_8 = arith.constant 128 : i32
    %sub3A_9 = arith.subi %get3A_4, %sub3A_8 : i32
    %max3A = arith.constant 0 : i32
    %max3A_10 = arith.maxsi %sub3A_9, %max3A : i32
    %add3A_11 = arith.constant 7 : i32
    %add3A_12 = arith.addi %max3A_10, %add3A_11 : i32
    %div3A_13 = arith.constant 8 : i32
    %div3A_14 = arith.divsi %add3A_12, %div3A_13 : i32
    %mul3A = arith.constant 8 : i32
    %mul3A_15 = arith.muli %div3A_14, %mul3A : i32
    %while3A = arith.constant 0 : i32
    %while3A_16 = arith.constant 0 : i32
    %while3A_17 = arith.subi %div3A_7, %while3A_16 : i32
    %while3A_18 = arith.addi %while3A_16, %while3A_17 : i32
    %while3A_19 = arith.constant 1 : i32
    %while3A_20 = arith.divsi %while3A_17, %while3A_19 : i32
    %while3A_21 = arith.muli %while3A_20, %while3A_19 : i32
    %while3A_22 = arith.addi %while3A_16, %while3A_21 : i32
    %while3A_23 = arith.constant 1 : i32
    scf.for %while3A_25 = %while3A_16 to %while3A_22 step %while3A_23  : i32 {
      %mul3A_26 = arith.constant 128 : i32
      %mul3A_27 = arith.muli %while3A_25, %mul3A_26 : i32
      %min3A = arith.minsi %mul3A_27, %mul3A_15 : i32
      %add3A_28 = arith.addi %get3A_1, %min3A : i32
      %multiple_of3A = tpu.assume_multiple %add3A_28, 8 : i32
      %get3A_29 = arith.index_cast %multiple_of3A : i32 to index
      %get3A_30 = arith.constant 0 : index
      %get3A_31 = vector.load %arg2[%get3A_29, %get3A_30] : memref<4864x768xf32, #tpu.memory_space<vmem>>, vector<128x768xf32>
      %get3A_32 = arith.constant 0 : index
      %get3A_33 = arith.constant 0 : index
      %get3A_34 = arith.constant 0 : index
      %get3A_35 = vector.load %arg3[%get3A_32, %get3A_33, %get3A_34] : memref<1x768x768xf32, #tpu.memory_space<vmem>>, vector<1x768x768xf32>
      %get3A_36 = vector.shape_cast %get3A_35 : vector<1x768x768xf32> to vector<768x768xf32>
      %dot_general3A = arith.constant dense<0.000000e+00> : vector<128x768xf32>
      %dot_general3A_37 = tpu.matmul %get3A_31, %get3A_36, %dot_general3A {dimension_numbers = #tpu.dot_dimension_numbers<[1], [1], [0], [0], [0, 0, 1, 0], [], []>, transpose_lhs_hint = false} : vector<128x768xf32>, vector<768x768xf32>, vector<128x768xf32> -> vector<128x768xf32>
      %get3A_38 = arith.constant 0 : index
      %get3A_39 = arith.constant 0 : index
      %get3A_40 = arith.constant 0 : index
      %get3A_41 = vector.load %arg4[%get3A_38, %get3A_39, %get3A_40] : memref<1x768x768xf32, #tpu.memory_space<vmem>>, vector<1x768x768xf32>
      %get3A_42 = vector.shape_cast %get3A_41 : vector<1x768x768xf32> to vector<768x768xf32>
      %dot_general3A_43 = arith.constant dense<0.000000e+00> : vector<128x768xf32>
      %dot_general3A_44 = tpu.matmul %get3A_31, %get3A_42, %dot_general3A_43 {dimension_numbers = #tpu.dot_dimension_numbers<[1], [1], [0], [0], [0, 0, 1, 0], [], []>, transpose_lhs_hint = false} : vector<128x768xf32>, vector<768x768xf32>, vector<128x768xf32> -> vector<128x768xf32>
      %logistic3A = arith.negf %dot_general3A_37 : vector<128x768xf32>
      %logistic3A_45 = math.exp %logistic3A : vector<128x768xf32>
      %logistic3A_46 = arith.constant 1.000000e+00 : f32
      %logistic3A_47 = vector.broadcast %logistic3A_46 : f32 to vector<128x768xf32>
      %logistic3A_48 = arith.addf %logistic3A_47, %logistic3A_45 : vector<128x768xf32>
      %logistic3A_49 = arith.divf %logistic3A_47, %logistic3A_48 : vector<128x768xf32>
      %mul3A_50 = arith.mulf %dot_general3A_37, %logistic3A_49 : vector<128x768xf32>
      %mul3A_51 = arith.mulf %mul3A_50, %dot_general3A_44 : vector<128x768xf32>
      %get3A_52 = arith.constant 0 : index
      %get3A_53 = arith.constant 0 : index
      %get3A_54 = arith.constant 0 : index
      %get3A_55 = vector.load %arg5[%get3A_52, %get3A_53, %get3A_54] : memref<1x768x768xf32, #tpu.memory_space<vmem>>, vector<1x768x768xf32>
      %get3A_56 = vector.shape_cast %get3A_55 : vector<1x768x768xf32> to vector<768x768xf32>
      %dot_general3A_57 = arith.constant dense<0.000000e+00> : vector<128x768xf32>
      %dot_general3A_58 = tpu.matmul %mul3A_51, %get3A_56, %dot_general3A_57 {dimension_numbers = #tpu.dot_dimension_numbers<[1], [1], [0], [0], [0, 0, 1, 0], [], []>, transpose_lhs_hint = false} : vector<128x768xf32>, vector<768x768xf32>, vector<128x768xf32> -> vector<128x768xf32>
      %swap3A = arith.index_cast %multiple_of3A : i32 to index
      %swap3A_59 = arith.constant 0 : index
      %swap3A_60 = vector.load %arg6[%swap3A, %swap3A_59] : memref<4864x768xf32, #tpu.memory_space<vmem>>, vector<128x768xf32>
      tpu.vector_store %arg6[%swap3A, %swap3A_59], %dot_general3A_58 {strides = array<i32>} : memref<4864x768xf32, #tpu.memory_space<vmem>>, vector<128x768xf32>,
    }
    %while3A_24 = arith.constant 1 : i32
    scf.for %while3A_25 = %while3A_22 to %while3A_18 step %while3A_24  : i32 {
      %mul3A_26 = arith.constant 128 : i32
      %mul3A_27 = arith.muli %while3A_25, %mul3A_26 : i32
      %min3A = arith.minsi %mul3A_27, %mul3A_15 : i32
      %add3A_28 = arith.addi %get3A_1, %min3A : i32
      %multiple_of3A = tpu.assume_multiple %add3A_28, 8 : i32
      %get3A_29 = arith.index_cast %multiple_of3A : i32 to index
      %get3A_30 = arith.constant 0 : index
      %get3A_31 = vector.load %arg2[%get3A_29, %get3A_30] : memref<4864x768xf32, #tpu.memory_space<vmem>>, vector<128x768xf32>
      %get3A_32 = arith.constant 0 : index
      %get3A_33 = arith.constant 0 : index
      %get3A_34 = arith.constant 0 : index
      %get3A_35 = vector.load %arg3[%get3A_32, %get3A_33, %get3A_34] : memref<1x768x768xf32, #tpu.memory_space<vmem>>, vector<1x768x768xf32>
      %get3A_36 = vector.shape_cast %get3A_35 : vector<1x768x768xf32> to vector<768x768xf32>
      %dot_general3A = arith.constant dense<0.000000e+00> : vector<128x768xf32>
      %dot_general3A_37 = tpu.matmul %get3A_31, %get3A_36, %dot_general3A {dimension_numbers = #tpu.dot_dimension_numbers<[1], [1], [0], [0], [0, 0, 1, 0], [], []>, transpose_lhs_hint = false} : vector<128x768xf32>, vector<768x768xf32>, vector<128x768xf32> -> vector<128x768xf32>
      %get3A_38 = arith.constant 0 : index
      %get3A_39 = arith.constant 0 : index
      %get3A_40 = arith.constant 0 : index
      %get3A_41 = vector.load %arg4[%get3A_38, %get3A_39, %get3A_40] : memref<1x768x768xf32, #tpu.memory_space<vmem>>, vector<1x768x768xf32>
      %get3A_42 = vector.shape_cast %get3A_41 : vector<1x768x768xf32> to vector<768x768xf32>
      %dot_general3A_43 = arith.constant dense<0.000000e+00> : vector<128x768xf32>
      %dot_general3A_44 = tpu.matmul %get3A_31, %get3A_42, %dot_general3A_43 {dimension_numbers = #tpu.dot_dimension_numbers<[1], [1], [0], [0], [0, 0, 1, 0], [], []>, transpose_lhs_hint = false} : vector<128x768xf32>, vector<768x768xf32>, vector<128x768xf32> -> vector<128x768xf32>
      %logistic3A = arith.negf %dot_general3A_37 : vector<128x768xf32>
      %logistic3A_45 = math.exp %logistic3A : vector<128x768xf32>
      %logistic3A_46 = arith.constant 1.000000e+00 : f32
      %logistic3A_47 = vector.broadcast %logistic3A_46 : f32 to vector<128x768xf32>
      %logistic3A_48 = arith.addf %logistic3A_47, %logistic3A_45 : vector<128x768xf32>
      %logistic3A_49 = arith.divf %logistic3A_47, %logistic3A_48 : vector<128x768xf32>
      %mul3A_50 = arith.mulf %dot_general3A_37, %logistic3A_49 : vector<128x768xf32>
      %mul3A_51 = arith.mulf %mul3A_50, %dot_general3A_44 : vector<128x768xf32>
      %get3A_52 = arith.constant 0 : index
      %get3A_53 = arith.constant 0 : index
      %get3A_54 = arith.constant 0 : index
      %get3A_55 = vector.load %arg5[%get3A_52, %get3A_53, %get3A_54] : memref<1x768x768xf32, #tpu.memory_space<vmem>>, vector<1x768x768xf32>
      %get3A_56 = vector.shape_cast %get3A_55 : vector<1x768x768xf32> to vector<768x768xf32>
      %dot_general3A_57 = arith.constant dense<0.000000e+00> : vector<128x768xf32>
      %dot_general3A_58 = tpu.matmul %mul3A_51, %get3A_56, %dot_general3A_57 {dimension_numbers = #tpu.dot_dimension_numbers<[1], [1], [0], [0], [0, 0, 1, 0], [], []>, transpose_lhs_hint = false} : vector<128x768xf32>, vector<768x768xf32>, vector<128x768xf32> -> vector<128x768xf32>
      %swap3A = arith.index_cast %multiple_of3A : i32 to index
      %swap3A_59 = arith.constant 0 : index
      %swap3A_60 = vector.load %arg6[%swap3A, %swap3A_59] : memref<4864x768xf32, #tpu.memory_space<vmem>>, vector<128x768xf32>
      tpu.vector_store %arg6[%swap3A, %swap3A_59], %dot_general3A_58 {strides = array<i32>} : memref<4864x768xf32, #tpu.memory_space<vmem>>, vector<128x768xf32>,
    }
    return
  }
  func.func @transform_0(%arg0: i32, %arg1: memref<2x64xi32, #tpu.memory_space<smem>>) -> (i32, i32) {
    %c0_i32 = arith.constant 0 : i32
    %c0_i32_0 = arith.constant 0 : i32
    %c0_i32_1 = arith.constant 0 : i32
    return %c0_i32, %c0_i32_0 : i32, i32
  }
  func.func @transform_1(%arg0: i32, %arg1: memref<2x64xi32, #tpu.memory_space<smem>>) -> (i32, i32, i32) {
    %c0_i32 = arith.constant 0 : i32
    %c0_i32_0 = arith.constant 0 : i32
    %c0_i32_1 = arith.constant 0 : i32
    return %arg0, %c0_i32, %c0_i32_0 : i32, i32, i32
  }
  func.func @transform_2(%arg0: i32, %arg1: memref<2x64xi32, #tpu.memory_space<smem>>) -> (i32, i32, i32) {
    %c0_i32 = arith.constant 0 : i32
    %c0_i32_0 = arith.constant 0 : i32
    %c0_i32_1 = arith.constant 0 : i32
    return %arg0, %c0_i32, %c0_i32_0 : i32, i32, i32
  }
  func.func @transform_3(%arg0: i32, %arg1: memref<2x64xi32, #tpu.memory_space<smem>>) -> (i32, i32, i32) {
    %c0_i32 = arith.constant 0 : i32
    %c0_i32_0 = arith.constant 0 : i32
    %c0_i32_1 = arith.constant 0 : i32
    return %arg0, %c0_i32, %c0_i32_0 : i32, i32, i32
  }
  func.func @transform_4(%arg0: i32, %arg1: memref<2x64xi32, #tpu.memory_space<smem>>) -> (i32, i32) {
    %c0_i32 = arith.constant 0 : i32
    %c0_i32_0 = arith.constant 0 : i32
    %c0_i32_1 = arith.constant 0 : i32
    return %c0_i32, %c0_i32_0 : i32, i32
  }
}

</mosaic_0001>

<sc_bundles>
// kernel: kernel.6.cloned.1.call-start
scs
__scs_entry_jumppad:
0x0: {  	(pc) =	sbr.rel $0x88, $3  }
0x1: {  	(tag) =	ssettag $0x0;
	lr =	simm.s32 $0x1  }
0x2: {  	[smem:$0x3F9C] =	sst lr;
	_ =	strace $0xD0000000  }
0x3: {  	_ = 	snop  }
0x4: {  	_ = 	snop  }
0x5: {  	_ = 	snop  }
0x6: {  	_ = 	snop  }
0x7: {  	_ = 	snop  }
__scs_overlays_trampoline_lowered:
0x8: {  	[smem:$0x3FAB] =	sst s0  }
0x9: {  	[smem:$0x3FAC] =	sst s1  }
0xa: {  	[smem:$0x3FAD] =	sst s2  }
0xb: {  	[smem:$0x3FAE] =	sst s3  }
0xc: {  	[smem:$0x3FAF] =	sst s4  }
0xd: {  	[smem:$0x3FB0] =	sst s5  }
0xe: {  	[smem:$0x3FB1] =	sst s6  }
0xf: {  	[smem:$0x3FB2] =	sst s7  }
0x10: {  	[smem:$0x3FB3] =	sst s8  }
0x11: {  	[smem:$0x3FB4] =	sst s9;
	s0 =	simm.s32 @!p0 $0x0  }
0x12: {  	s1 =	sld [smem:$0x3F9A];
	s0 =	simm.s32 @p0 $0x1  }
0x13: {  	[smem:$0x3FB5] =	sst s0;
	s0 =	simm.s32 @!p1 $0x0  }
0x14: {  	s2 =	sld [smem:$0x3F99];
	s0 =	simm.s32 @p1 $0x1  }
0x15: {  	[smem:$0x3FB6] =	sst s0;
	s0 =	simm.s32 @!p2 $0x0  }
0x16: {  	s3 =	sld [smem:$0x3FDB];
	s0 =	simm.s32 @p2 $0x1  }
0x17: {  	s4 =	simm.s32 $0x1BF5;
	[smem:$0x3FB8] =	sst s0  }
0x18: {  	s0 =	sld [smem:$0x3F9B];
	_ =	swait.ge [sflag:s4], $0x0  }
0x19: {  	s7 =	sld [smem:$0x3F9C]  }
0x1a: {  	s8 =	sadd.s32 $0xFFFFE003, lr  }
0x1b: {  	s9 =	sadd.s32 $0xFFFFFEF7, lr;
	s5 =	simm.s32 $0xFFFFFFFF;
	p2 =	slt.u32 s8, $0xFFFFF086  }
0x1c: {  	p1 =	slt.u32 s9, $0xF7A;
	s5 =	simm.s32 @!p2 $0x0  }
0x1d: {  	s5 =	simm.s32 @p1 $0x1;
	p0 =	seq.s32 s7, s2  }
0x1e: {  	s7 =	smul.u32 @!p0 $0xF7A, s2;
	p2 =	seq.s32 @!p0 s5, $0x0  }
0x1f: {  	s9 =	smul.u32 $0xF7A, s1;
	s8 =	simm.s32 @!p0 $0x1BF5;
	p2 =	por !p2, p0  }
0x20: {  	[sflag:s8] =	ssyncset.s32 @!p0 $0xFFFFF086;
	s6 =	sadd.s32 @!p0 s3, s7;
	s7 =	simm.s32 @!p0 $0x108  }
0x21: {  	s3 =	sadd.s32 s3, s9;
	s6 =	sadd.s32 @!p0 $0x88, s6;
	s7 =	simm.s32 @p2 $0x1082  }
0x22: {  	[simem:s7], [sflag:s8] =	dma.local @!p0 [hbm:s6], $0xF7A  }
0x23: {  	s9 =	sor.u32 $0xD0000000, s2;
	s6 =	simm.s32 $0x108;
	_ =	swait.ge @!p0 [sflag:s8], $0x0  }
0x24: {  	s3 =	sadd.s32 $0x88, s3;
	s6 =	simm.s32 @!p1 $0x1082;
	[sflag:s4] =	ssyncset.s32 $0xFFFFF086  }
0x25: {  	[simem:s6], [sflag:s4] =	dma.local [hbm:s3], $0xF7A  }
0x26: {  	[smem:$0x3F9C] =	sst s1;
	(tag) =	ssettag s2;
	_ =	strace s9  }
0x27: {  	s1 =	sld [smem:$0x3FAC]  }
0x28: {  	s2 =	sld [smem:$0x3FAD]  }
0x29: {  	s4 =	sld [smem:$0x3FAF]  }
0x2a: {  	p0 =	seq.s32 s5, $0x0;
	s5 =	sld [smem:$0x3FB0]  }
0x2b: {  	s6 =	sld [smem:$0x3FB1]  }
0x2c: {  	s7 =	sld [smem:$0x3FB2]  }
0x2d: {  	s3 =	simm.s32 $0x108;
	s8 =	sld [smem:$0x3FB3]  }
0x2e: {  	s3 =	simm.s32 @!p0 $0x1082;
	s9 =	sld [smem:$0x3FB4]  }
0x2f: {  	lr =	sadd.s32 s0, s3;
	s0 =	sld [smem:$0x3FAB]  }
0x30: {  	s3 =	sld [smem:$0x3FAE]  }
0x31: {  	[smem:$0x3FB7] =	sst s10  }
0x32: {  	s10 =	sld [smem:$0x3FB5];
	_ =	sdelay $0x3  }
0x33: {  	p0 =	seq.s32 s10, $0x1;
	s10 =	sld [smem:$0x3FB7];
	_ =	sdelay $0x3  }
0x34: {  	[smem:$0x3FB7] =	sst s10  }
0x35: {  	s10 =	sld [smem:$0x3FB6];
	_ =	sdelay $0x3  }
0x36: {  	p1 =	seq.s32 s10, $0x1;
	s10 =	sld [smem:$0x3FB7];
	_ =	sdelay $0x3  }
0x37: {  	[smem:$0x3FB7] =	sst s10  }
0x38: {  	s10 =	sld [smem:$0x3FB8]  }
0x39: {  	_ = 	snop;
	(pc) =	sbr.ind lr, $3  }
0x3a: {  	_ = 	snop  }
0x3b: {  	_ = 	snop  }
0x3c: {  	p2 =	seq.s32 s10, $0x1;
	s10 =	sld [smem:$0x3FB7]  }
0x3d: {  	_ =	shalt  }
0x3e: {  	_ =	shalt  }
0x3f: {  	_ =	shalt  }
0x40: {  	_ =	shalt  }
0x41: {  	_ =	shalt  }
0x42: {  	_ =	shalt  }
0x43: {  	_ =	shalt  }
0x44: {  	_ =	shalt  }
0x45: {  	_ =	shalt  }
0x46: {  	_ =	shalt  }
0x47: {  	_ =	shalt  }
0x48: {  	_ =	shalt  }
0x49: {  	_ =	shalt  }
0x4a: {  	_ =	shalt  }
0x4b: {  	_ =	shalt  }
0x4c: {  	_ =	shalt  }
0x4d: {  	_ =	shalt  }
0x4e: {  	_ =	shalt  }
0x4f: {  	_ =	shalt  }
0x50: {  	_ =	shalt  }
0x51: {  	_ =	shalt  }
0x52: {  	_ =	shalt  }
0x53: {  	_ =	shalt  }
0x54: {  	_ =	shalt  }
0x55: {  	_ =	shalt  }
0x56: {  	_ =	shalt  }
0x57: {  	_ =	shalt  }
0x58: {  	_ =	shalt  }
0x59: {  	_ =	shalt  }
0x5a: {  	_ =	shalt  }
0x5b: {  	_ =	shalt  }
0x5c: {  	_ =	shalt  }
0x5d: {  	_ =	shalt  }
0x5e: {  	_ =	shalt  }
0x5f: {  	_ =	shalt  }
0x60: {  	_ =	shalt  }
0x61: {  	_ =	shalt  }
0x62: {  	_ =	shalt  }
0x63: {  	_ =	shalt  }
0x64: {  	_ =	shalt  }
0x65: {  	_ =	shalt  }
0x66: {  	_ =	shalt  }
0x67: {  	_ =	shalt  }
0x68: {  	_ =	shalt  }
0x69: {  	_ =	shalt  }
0x6a: {  	_ =	shalt  }
0x6b: {  	_ =	shalt  }
0x6c: {  	_ =	shalt  }
0x6d: {  	_ =	shalt  }
0x6e: {  	_ =	shalt  }
0x6f: {  	_ =	shalt  }
0x70: {  	_ =	shalt  }
0x71: {  	_ =	shalt  }
0x72: {  	_ =	shalt  }
0x73: {  	_ =	shalt  }
0x74: {  	_ =	shalt  }
0x75: {  	_ =	shalt  }
0x76: {  	_ =	shalt  }
0x77: {  	_ =	shalt  }
0x78: {  	_ =	shalt  }
0x79: {  	_ =	shalt  }
0x7a: {  	_ =	shalt  }
0x7b: {  	_ =	shalt  }
0x7c: {  	_ =	shalt  }
0x7d: {  	_ =	shalt  }
0x7e: {  	_ =	shalt  }
0x7f: {  	_ =	shalt  }
0x80: {  	_ =	shalt  }
0x81: {  	_ =	shalt  }
0x82: {  	_ =	shalt  }
0x83: {  	_ =	shalt  }
0x84: {  	_ =	shalt  }
0x85: {  	_ =	shalt  }
0x86: {  	_ =	shalt  }
0x87: {  	_ =	shalt  }
.Lfunc_end0:
.L_simem_size_0:
called_computation_lowered:
.L_overlay_start_0:
0x88: {  	s2 =	sld [smem:$0x3FD9]  }
0x89: {  	s3 =	sld [smem:$0x3FFE];
	_ =	sdelay $0x1  }
0x8a: {  	s1 =	srdreg.scid  }
0x8b: {  	s0 =	sand.u32 $0x1, s1  }
0x8c: {  	s17 =	sshll.u32 s0, $0xA;
	s2 =	sadd.s32 s3, s2  }
0x8d: {  	s2 =	sadd.s32 s2, s17  }
0x8e: {  	[smem:$0x3FC3] =	sst s2  }
0x8f: {  	_ = 	snop  }
0x90: {  	s2 =	sld [smem:$0x3FC9]  }
0x91: {  	s18 =	sld [smem:$0x3FD0];
	(tm) =	ssettm $0x1  }
0x92: {  	s4 =	sld [smem:$0x3FFB];
	_ =	sdelay $0x3  }
0x93: {  	_ =	strace s4  }
0x94: {  	s4 =	sld [smem:$0x3FFC];
	_ =	sdelay $0x3  }
0x95: {  	_ =	strace s4  }
0x96: {  	s4 =	sld [smem:$0x3FFD];
	_ =	sdelay $0x3  }
0x97: {  	_ =	strace s4  }
0x98: {  	_ =	strace $0x8FFFFFFF  }
0x99: {  	s19 =	sld [smem:$0x3FDB];
	_ =	sdelay $0x1  }
0x9a: {  	s5 =	simm.s32 $_scs_section_size  }
0x9b: {  	s6 =	simm.s32 $_size__tile_overlayer_lowered;
	s7 =	simm.s32 $_tile_overlayer_lowered  }
0x9c: {  	s22 =	simm.s32 $0x1BFF;
	s21 =	sshll.u32 s7, $0x1;
	s4 =	sadd.s32 s5, s19  }
0x9d: {  	s8 =	simm.s32 $0x0;
	s20 =	sshll.u32 s6, $0x1;
	s6 =	sadd.s32 s21, s4  }
0x9e: {  	[timem:s8], [sflag:s22] =	dma.local [hbm:s6], s20  }
0x9f: {  	_ =	swait.ge [sflag:s22], s20  }
0xa0: {  	s5 =	ssub.s32 $0x0, s20;
	[sflag:s22] =	ssyncset.done $0x0  }
0xa1: {  	[sflag:s22] =	ssyncadd.s32 s5;
	_ =	sdelay $0x1  }
0xa2: {  	s23 =	simm.s32 $0x1B8B  }
0xa3: {  	_ =	swait.ge [sflag:s23], $0x1  }
0xa4: {  	[sflag:s23] =	ssyncset.done $0x0  }
0xa5: {  	s25 =	simm.s32 $0x1B8E;
	s24 =	sld [smem:$0x3FFE];
	[sflag:s23] =	ssyncadd.s32 $0xFFFFFFFF  }
0xa6: {  	s26 =	simm.s32 $execute0_lowered;
	[smem:$0x3FD2] =	sst s25  }
0xa7: {  	s6 =	sshll.u32 s26, $0x1;
	_ =	strace $0x80000046;
	[dreg:$0x1] =	wrdreg $0xFFFFFFFF  }
0xa8: {  	s28 =	simm.s32 $_size_execute0_lowered;
	s4 =	sadd.s32 s4, s6;
	[dreg:$0x0] =	wrdreg $0x0  }
0xa9: {  	s6 =	sshll.u32 s28, $0x1;
	[dreg:$0x2] =	wrdreg s4  }
0xaa: {  	[dreg:$0x3] =	wrdreg s6  }
0xab: {  	[dreg:$0x4] =	wrdreg $0xC0  }
0xac: {  	_ =	task [dreg:s8], $0x5FFFF  }
0xad: {  	[dreg:$0x1] =	wrdreg $0xFFFFFFFF  }
0xae: {  	[dreg:$0x0] =	wrdreg $0x60  }
0xaf: {  	[dreg:$0x2] =	wrdreg s18  }
0xb0: {  	[dreg:$0x3] =	wrdreg s2  }
0xb1: {  	[dreg:$0x4] =	wrdreg s24  }
0xb2: {  	[dreg:$0x5] =	wrdreg $0x9  }
0xb3: {  	_ =	task.clear_ibuf [dreg:s8], $0x6FFFF;
	_ =	strace $0x90000046  }
0xb4: {  	s29 =	simm.s32 $0x9;
	_ =	strace $0x80000048  }
0xb5: {  	_ =	swait.ge [sflag:s29], $0x1  }
0xb6: {  	[sflag:s29] =	ssyncadd.s32 $0xFFFFFFFF  }
0xb7: {  	_ =	strace $0x90000048  }
0xb8: {  	_ =	sfence  }
0xb9: {  	s30 =	sld [smem:$0x0];
	_ =	sdelay $0x2  }
0xba: {  	s31 =	sshll.u32 s1, $0xD;
	s1 =	sshrl.u32 s1, $0x2  }
0xbb: {  	s3 =	sand.u32 $0x4000, s31;
	s1 =	sadd.s32 s1, s30  }
0xbc: {  	s0 =	sor.u32 s3, s0;
	s1 =	sshll.u32 s1, $0x11  }
0xbd: {  	s0 =	sor.u32 s1, s0  }
0xbe: {  	s0 =	sadd.s32 $0x8F2B, s0  }
0xbf: {  	[sflag:s0] =	ssyncadd.remote.s32 $0x1  }
0xc0: {  	_ =	sfence.sel $0xFFFF  }
0xc1: {  	[dreg:$0x0] =	wrdreg $0xFFFFFFFF;
	(pc) =	sbr.abs _section_cstart, $3  }
0xc2: {  	[dreg:$0x1] =	wrdreg $0xFFFFFFFF  }
0xc3: {  	_ =	task.clear_ibuf [dreg:s8], $0x2FFFF;
	_ =	strace $0x9FFFFFFF  }
0xc4: {  	(tm) =	ssettm $0x7FFFFFFF  }
0xc5: {  	_ =	shalt  }
tec
execute0_lowered:
.L_overlay_start_1:
0x0: {  	(tag) =	ssettag $0x1  }
0x1: {  	s0 =	rddreg [dreg:$0x1]  }
0x2: {  	s1 =	rddreg [dreg:$0x2]  }
0x3: {  	s3 =	simm.s32 $0x0;
	s2 =	srdreg.scid;
	s11 =	stileid.u32  }
0x4: {  	s16 =	simm.s32 $0x1180;
	s17 =	simm.s32 $0x3;
	s18 =	simm.s32 $0x1000  }
0x5: {  	s19 =	simm.s32 $0x1080;
	s20 =	simm.s32 $0x2;
	s21 =	simm.s32 $0x16180  }
0x6: {  	s22 =	simm.s32 $0x16980;
	s23 =	simm.s32 $0x17180;
	s24 =	simm.s32 $0x17980  }
0x7: {  	s25 =	simm.s32 $0x18180;
	s26 =	simm.s32 $0x1100;
	s28 =	simm.s32 $0x1  }
0x8: {  	s29 =	simm.s32 $0x0;
	[smem:$0x7FF] =	sst s3;
	s2 =	sand.u32 $0x1, s2  }
0x9: {  	s5 =	sshll.u32 s11, $0x1;
	s4 =	sadd.s32 $0x1800, s1;
	s9 =	sadd.s32 $0x1A00, s1  }
0xa: {  	s30 =	sshll.u32 s11, $0x4;
	s15 =	sshll.u32 s11, $0xA;
	s11 =	sadd.s32 $0x1610, s1  }
0xb: {  	_ =	strace $0x80000047;
	s14 =	sor.u32 s2, s5;
	s6 =	ssub.s32 $0x2, s2  }
0xc: {  	s13 =	sshll.u32 s2, $0x3;
	s2 =	sshll.u32 s2, $0x9;
	s5 =	sshll.u32 s14, $0x4  }
0xd: {  	s7 =	sshrl.u32 s6, $0x1;
	s8 =	smul.u32 $0x3000, s14;
	s31 =	sor.u32 s2, s15  }
0xe: {  	p0 =	seq.s32 s14, $0x0;
	p1 =	seq.s32 s14, $0x1F;
	p2 =	sne.s32 s14, $0x0  }
0xf: {  	s2 =	simm.s32 $0x15180;
	s10 =	sadd.s32 s5, s1;
	s5 =	sadd.s32 $0x1600, s1  }
.Ltmp0:
0x10: {  	s12 =	ssub.s32 s6, s7;
	s7 =	sshll.u32 s14, $0x7;
	(pc) =	sbr.rel .LBB2_1-.Ltmp0, $4  }
0x11: {  	s14 =	simm.s32 $0x18980;
	s6 =	sadd.s32 s0, s8;
	s8 =	sadd.s32 $0x1900, s1  }
0x12: {  	v3 =	vlaneseq.u32;
	s10 =	sadd.s32 $0x73800, s10;
	s0 =	sor.u32 s13, s30;
	s12 =	smax.u32 s12, $0x1  }
0x13: {  	v0 =	vimm.s32 $0x0;
	vm0 =	vmmov $0xffff;
	v2 =	vshrl.u32 v3, $0x3;
	s1 =	sadd.s32 $0x200, s31;
	s13 =	smax.u32 s0, $0x1;
	s0 =	sor.u32 $0x7, s0  }
0x14: {  	v1 =	vand.u32 $0x7, v3;
	v3 =	vor.u32 $0x8, v3;
	v2 =	vmul.u32 $0x8, v2;
	s15 =	sshrl.u32 s1, $0x2;
	s1 =	simm.s32 $0x15980;
	[dreg:$0x4] =	wrdreg s0  }
.LBB2_8:
0x15: {  	_ =	sdelay $0x4  }
0x16: {  	[tilespmem:v20+s18+$0x0] =	vst.idx.msk vm1, v21  }
.LBB2_9:
0x17: {  	v20 =	vld [tilespmem:$0x1000];
	_ =	sdelay $0x4  }
0x18: {  	v20 =	vadd.s32 $0x7, v20  }
0x19: {  	v20 =	vand.u32 $0xFFFFFFF8, v20  }
0x1a: {  	(xrf0) =	vadd.scan.msk.s32 $0xffff, v20;
	_ =	sdelay $0x1  }
0x1b: {  	v21 =	vld [tilespmem:$0x1010];
	_ =	sdelay $0x3  }
0x1c: {  	v22, _, _ =	vpop (xrf0)  }
0x1d: {  	v21 =	vadd.s32 $0x7, v21;
	v23 =	vxor.u32 $0x80000000, v22  }
0x1e: {  	v21 =	vand.u32 $0xFFFFFFF8, v21;
	(xrf0) =	vmax.scan.msk.u32 $0xffff, v23  }
0x1f: {  	(xrf0) =	vadd.scan.msk.s32 $0xffff, v21;
	_ =	sdelay $0x1  }
0x20: {  	v49 =	vld [tilespmem:$0x1020];
	_ =	sdelay $0x2  }
0x21: {  	v24, _, _ =	vpop (xrf0)  }
0x22: {  	v25, _, _ =	vpop (xrf0)  }
0x23: {  	v23 =	vadd.s32 $0x7, v49;
	v26 =	vxor.u32 $0x80000000, v25  }
0x24: {  	v23 =	vand.u32 $0xFFFFFFF8, v23;
	(xrf0) =	vmax.scan.msk.u32 $0xffff, v26  }
0x25: {  	(xrf0) =	vadd.scan.msk.s32 $0xffff, v23;
	_ =	sdelay $0x4  }
0x26: {  	v26, _, _ =	vpop (xrf0)  }
0x27: {  	v27, _, _ =	vpop (xrf0)  }
0x28: {  	v28 =	vxor.u32 $0x80000000, v27  }
0x29: {  	(xrf0) =	vmax.scan.msk.u32 $0xffff, v28;
	_ =	sdelay $0x3  }
0x2a: {  	(v2sf) =	vpush v24, $0xF  }
0x2b: {  	(v2sf) =	vpush v26, $0xF  }
0x2c: {  	v50, _, _ =	vpop (xrf0)  }
0x2d: {  	(v2sf) =	vpush v50, $0xF;
	_ =	sdelay $0x2  }
0x2e: {  	v51 =	vld [tilespmem:$0x1030];
	_ =	sdelay $0x4  }
0x2f: {  	v24 =	vadd.s32 $0x7, v51  }
0x30: {  	v24 =	vand.u32 $0xFFFFFFF8, v24  }
0x31: {  	(xrf0) =	vadd.scan.msk.s32 $0xffff, v24;
	_ =	sdelay $0x1  }
0x32: {  	s30 =	spop (v2sf)  }
0x33: {  	s30 =	sxor.u32 $0x80000000, s30;
	s31 =	spop (v2sf)  }
0x34: {  	s31 =	sadd.s32 s31, s30  }
0x35: {  	v20 =	vsub.s32 v22, v20;
	v21 =	vsub.s32 v25, v21;
	s31 =	sadd.s32 $0x80000000, s31;
	s0 =	spop (v2sf)  }
0x36: {  	[tilespmem:$0x1080] =	vst v20;
	v53 =	vsub.s32 v27, v23;
	v52 =	vadd.s32 s30, v21;
	v54, _, _ =	vpop (xrf0);
	s0 =	sadd.s32 s0, s31  }
0x37: {  	[tilespmem:$0x1090] =	vst v52;
	v55 =	vsub.s32 v54, v24;
	v21 =	vadd.s32 s31, v53;
	s0 =	sadd.s32 $0x80000000, s0  }
0x38: {  	[tilespmem:$0x10A0] =	vst v21;
	v20 =	vadd.s32 s0, v55  }
0x39: {  	[tilespmem:$0x10B0] =	vst v20  }
0x3a: {  	v4 =	vld.idx.msk [tilespmem:v4+s19+$0x0], $0xffff;
	_ =	sdelay $0x3  }
0x3b: {  	v6 =	vadd.s32 $0xFFFFFFFF, v6  }
0x3c: {  	v4 =	vadd.s32 v4, v6  }
0x3d: {  	[tilespmem:$0x1100] =	vst v4  }
0x3e: {  	v5 =	vld.idx.msk [tilespmem:v5+s19+$0x0], $0xffff;
	_ =	sdelay $0x3  }
0x3f: {  	v56 =	vadd.s32 $0xFFFFFFFF, v8  }
0x40: {  	v5 =	vadd.s32 v5, v56  }
0x41: {  	[tilespmem:$0x1110] =	vst v5  }
0x42: {  	v5 =	vld.idx.msk [tilespmem:v7+s19+$0x0], $0xffff;
	_ =	sdelay $0x3  }
0x43: {  	v57 =	vadd.s32 $0xFFFFFFFF, v10  }
0x44: {  	v5 =	vadd.s32 v5, v57  }
0x45: {  	[tilespmem:$0x1120] =	vst v5  }
0x46: {  	v5 =	vld.idx.msk [tilespmem:v9+s19+$0x0], $0xffff;
	_ =	sdelay $0x3  }
0x47: {  	v58 =	vadd.s32 $0xFFFFFFFF, v12  }
0x48: {  	v5 =	vadd.s32 v5, v58  }
0x49: {  	[tilespmem:$0x1130] =	vst v5  }
0x4a: {  	v5 =	vld.idx.msk [tilespmem:v11+s19+$0x0], $0xffff;
	_ =	sdelay $0x3  }
0x4b: {  	v59 =	vadd.s32 $0xFFFFFFFF, v14  }
0x4c: {  	v5 =	vadd.s32 v5, v59  }
0x4d: {  	[tilespmem:$0x1140] =	vst v5  }
0x4e: {  	v5 =	vld.idx.msk [tilespmem:v13+s19+$0x0], $0xffff;
	_ =	sdelay $0x3  }
0x4f: {  	v60 =	vadd.s32 $0xFFFFFFFF, v18  }
0x50: {  	v5 =	vadd.s32 v5, v60  }
0x51: {  	[tilespmem:$0x1150] =	vst v5  }
0x52: {  	v5 =	vld.idx.msk [tilespmem:v15+s19+$0x0], $0xffff;
	_ =	sdelay $0x3  }
0x53: {  	v61 =	vadd.s32 $0xFFFFFFFF, v19  }
0x54: {  	v5 =	vadd.s32 v5, v61  }
0x55: {  	[tilespmem:$0x1160] =	vst v5;
	v5 =	vshrl.u32 v4, $0x3  }
0x56: {  	v62 =	vld.idx.msk [tilespmem:v17+s19+$0x0], $0xffff;
	v5 =	vmul.u32 $0x30, v5  }
0x57: {  	v4 =	vand.u32 $0x7, v4  }
0x58: {  	v4 =	vor.u32 v4, v5  }
0x59: {  	v5 =	vperm.xlane v4, v1  }
0x5a: {  	v63 =	vadd.s32 $0xFFFFFFFF, v16  }
0x5b: {  	v6 =	vadd.s32 v62, v63;
	v5 =	vadd.s32 v2, v5  }
0x5c: {  	[tilespmem:$0x1170] =	vst v6  }
0x5d: {  	_ =	swait.ge [sflag:s20], $0x18000  }
0x5e: {  	[sflag:s20] =	ssyncset.done $0x0  }
0x5f: {  	v4 =	vperm.xlane v4, v3;
	[sflag:s20] =	ssyncadd.s32 $0xFFFE8000  }
0x60: {  	[hbm4b:s4+s3] =	stream.indirect_vreg.scatter [tilespmem:s16], [sflag:$0x1], $0x80, v5, vm0, $0xb8;
	[tilespmem:$0x19180] =	vst v63  }
0x61: {  	s31 =	simm.s32 $0x1980;
	v4 =	vadd.s32 v2, v4  }
0x62: {  	[hbm4b:s8+s3] =	stream.indirect_vreg.scatter [tilespmem:s31], [sflag:$0x1], $0x80, v5, vm0, $0xb8;
	[tilespmem:$0x19180] =	vst v63  }
0x63: {  	s30 =	simm.s32 $0x2180  }
0x64: {  	[hbm4b:s9+s3] =	stream.indirect_vreg.scatter [tilespmem:s30], [sflag:$0x1], $0x80, v5, vm0, $0xb8;
	[tilespmem:$0x19180] =	vst v63  }
0x65: {  	s31 =	simm.s32 $0x2980  }
0x66: {  	[hbm4b:s4+s3] =	stream.indirect_vreg.scatter [tilespmem:s31], [sflag:$0x1], $0x80, v4, vm0, $0xb8;
	[tilespmem:$0x19180] =	vst v63  }
0x67: {  	s30 =	simm.s32 $0x3180  }
0x68: {  	[hbm4b:s8+s3] =	stream.indirect_vreg.scatter [tilespmem:s30], [sflag:$0x1], $0x80, v4, vm0, $0xb8;
	[tilespmem:$0x19180] =	vst v63  }
0x69: {  	s31 =	simm.s32 $0x3980  }
0x6a: {  	[hbm4b:s9+s3] =	stream.indirect_vreg.scatter [tilespmem:s31], [sflag:$0x1], $0x80, v4, vm0, $0xb8;
	[tilespmem:$0x19180] =	vst v63  }
0x6b: {  	v4 =	vld [tilespmem:$0x1110];
	_ =	sdelay $0x4  }
0x6c: {  	v5 =	vshrl.u32 v4, $0x3  }
0x6d: {  	v5 =	vmul.u32 $0x30, v5  }
0x6e: {  	v4 =	vand.u32 $0x7, v4  }
0x6f: {  	v4 =	vor.u32 v4, v5  }
0x70: {  	v5 =	vperm.xlane v4, v1;
	_ =	sdelay $0x1  }
0x71: {  	v5 =	vadd.s32 v2, v5;
	_ =	sdelay $0x3  }
0x72: {  	s30 =	simm.s32 $0x4180;
	v4 =	vperm.xlane v4, v3  }
0x73: {  	[hbm4b:s4+s3] =	stream.indirect_vreg.scatter [tilespmem:s30], [sflag:$0x1], $0x80, v5, vm0, $0xb8;
	[tilespmem:$0x19180] =	vst v63  }
0x74: {  	s31 =	simm.s32 $0x4980;
	v4 =	vadd.s32 v2, v4  }
0x75: {  	[hbm4b:s8+s3] =	stream.indirect_vreg.scatter [tilespmem:s31], [sflag:$0x1], $0x80, v5, vm0, $0xb8;
	[tilespmem:$0x19180] =	vst v63  }
0x76: {  	s30 =	simm.s32 $0x5180  }
0x77: {  	[hbm4b:s9+s3] =	stream.indirect_vreg.scatter [tilespmem:s30], [sflag:$0x1], $0x80, v5, vm0, $0xb8;
	[tilespmem:$0x19180] =	vst v63  }
0x78: {  	s31 =	simm.s32 $0x5980  }
0x79: {  	[hbm4b:s4+s3] =	stream.indirect_vreg.scatter [tilespmem:s31], [sflag:$0x1], $0x80, v4, vm0, $0xb8;
	[tilespmem:$0x19180] =	vst v63  }
0x7a: {  	s30 =	simm.s32 $0x6180  }
0x7b: {  	[hbm4b:s8+s3] =	stream.indirect_vreg.scatter [tilespmem:s30], [sflag:$0x1], $0x80, v4, vm0, $0xb8;
	[tilespmem:$0x19180] =	vst v63  }
0x7c: {  	s31 =	simm.s32 $0x6980  }
0x7d: {  	[hbm4b:s9+s3] =	stream.indirect_vreg.scatter [tilespmem:s31], [sflag:$0x1], $0x80, v4, vm0, $0xb8;
	[tilespmem:$0x19180] =	vst v63  }
0x7e: {  	v4 =	vld [tilespmem:$0x1120];
	_ =	sdelay $0x4  }
0x7f: {  	v5 =	vshrl.u32 v4, $0x3  }
0x80: {  	v5 =	vmul.u32 $0x30, v5  }
0x81: {  	v4 =	vand.u32 $0x7, v4  }
0x82: {  	v4 =	vor.u32 v4, v5  }
0x83: {  	v5 =	vperm.xlane v4, v1;
	_ =	sdelay $0x1  }
0x84: {  	v5 =	vadd.s32 v2, v5;
	_ =	sdelay $0x3  }
0x85: {  	s30 =	simm.s32 $0x7180;
	v4 =	vperm.xlane v4, v3  }
0x86: {  	[hbm4b:s4+s3] =	stream.indirect_vreg.scatter [tilespmem:s30], [sflag:$0x1], $0x80, v5, vm0, $0xb8;
	[tilespmem:$0x19180] =	vst v63  }
0x87: {  	s31 =	simm.s32 $0x7980;
	v4 =	vadd.s32 v2, v4  }
0x88: {  	[hbm4b:s8+s3] =	stream.indirect_vreg.scatter [tilespmem:s31], [sflag:$0x1], $0x80, v5, vm0, $0xb8;
	[tilespmem:$0x19180] =	vst v63  }
0x89: {  	s30 =	simm.s32 $0x8180  }
0x8a: {  	[hbm4b:s9+s3] =	stream.indirect_vreg.scatter [tilespmem:s30], [sflag:$0x1], $0x80, v5, vm0, $0xb8;
	[tilespmem:$0x19180] =	vst v63  }
0x8b: {  	s31 =	simm.s32 $0x8980  }
0x8c: {  	[hbm4b:s4+s3] =	stream.indirect_vreg.scatter [tilespmem:s31], [sflag:$0x1], $0x80, v4, vm0, $0xb8;
	[tilespmem:$0x19180] =	vst v63  }
0x8d: {  	s30 =	simm.s32 $0x9180  }
0x8e: {  	[hbm4b:s8+s3] =	stream.indirect_vreg.scatter [tilespmem:s30], [sflag:$0x1], $0x80, v4, vm0, $0xb8;
	[tilespmem:$0x19180] =	vst v63  }
0x8f: {  	s31 =	simm.s32 $0x9980  }
0x90: {  	[hbm4b:s9+s3] =	stream.indirect_vreg.scatter [tilespmem:s31], [sflag:$0x1], $0x80, v4, vm0, $0xb8;
	[tilespmem:$0x19180] =	vst v63  }
0x91: {  	v4 =	vld [tilespmem:$0x1130];
	_ =	sdelay $0x4  }
0x92: {  	v5 =	vshrl.u32 v4, $0x3  }
0x93: {  	v5 =	vmul.u32 $0x30, v5  }
0x94: {  	v4 =	vand.u32 $0x7, v4  }
0x95: {  	v4 =	vor.u32 v4, v5  }
0x96: {  	v5 =	vperm.xlane v4, v1;
	_ =	sdelay $0x1  }
0x97: {  	v5 =	vadd.s32 v2, v5;
	_ =	sdelay $0x3  }
0x98: {  	s30 =	simm.s32 $0xA180;
	v4 =	vperm.xlane v4, v3  }
0x99: {  	[hbm4b:s4+s3] =	stream.indirect_vreg.scatter [tilespmem:s30], [sflag:$0x1], $0x80, v5, vm0, $0xb8;
	[tilespmem:$0x19180] =	vst v63  }
0x9a: {  	s31 =	simm.s32 $0xA980;
	v4 =	vadd.s32 v2, v4  }
0x9b: {  	[hbm4b:s8+s3] =	stream.indirect_vreg.scatter [tilespmem:s31], [sflag:$0x1], $0x80, v5, vm0, $0xb8;
	[tilespmem:$0x19180] =	vst v63  }
0x9c: {  	s30 =	simm.s32 $0xB180  }
0x9d: {  	[hbm4b:s9+s3] =	stream.indirect_vreg.scatter [tilespmem:s30], [sflag:$0x1], $0x80, v5, vm0, $0xb8;
	[tilespmem:$0x19180] =	vst v63  }
0x9e: {  	s31 =	simm.s32 $0xB980  }
0x9f: {  	[hbm4b:s4+s3] =	stream.indirect_vreg.scatter [tilespmem:s31], [sflag:$0x1], $0x80, v4, vm0, $0xb8;
	[tilespmem:$0x19180] =	vst v63  }
0xa0: {  	s30 =	simm.s32 $0xC180  }
0xa1: {  	[hbm4b:s8+s3] =	stream.indirect_vreg.scatter [tilespmem:s30], [sflag:$0x1], $0x80, v4, vm0, $0xb8;
	[tilespmem:$0x19180] =	vst v63  }
0xa2: {  	s31 =	simm.s32 $0xC980  }
0xa3: {  	[hbm4b:s9+s3] =	stream.indirect_vreg.scatter [tilespmem:s31], [sflag:$0x1], $0x80, v4, vm0, $0xb8;
	[tilespmem:$0x19180] =	vst v63  }
0xa4: {  	v4 =	vld [tilespmem:$0x1140];
	_ =	sdelay $0x4  }
0xa5: {  	v5 =	vshrl.u32 v4, $0x3  }
0xa6: {  	v5 =	vmul.u32 $0x30, v5  }
0xa7: {  	v4 =	vand.u32 $0x7, v4  }
0xa8: {  	v4 =	vor.u32 v4, v5  }
0xa9: {  	v5 =	vperm.xlane v4, v1;
	_ =	sdelay $0x1  }
0xaa: {  	v5 =	vadd.s32 v2, v5;
	_ =	sdelay $0x3  }
0xab: {  	s30 =	simm.s32 $0xD180;
	v4 =	vperm.xlane v4, v3  }
0xac: {  	[hbm4b:s4+s3] =	stream.indirect_vreg.scatter [tilespmem:s30], [sflag:$0x1], $0x80, v5, vm0, $0xb8;
	[tilespmem:$0x19180] =	vst v63  }
0xad: {  	s31 =	simm.s32 $0xD980;
	v4 =	vadd.s32 v2, v4  }
0xae: {  	[hbm4b:s8+s3] =	stream.indirect_vreg.scatter [tilespmem:s31], [sflag:$0x1], $0x80, v5, vm0, $0xb8;
	[tilespmem:$0x19180] =	vst v63  }
0xaf: {  	s30 =	simm.s32 $0xE180  }
0xb0: {  	[hbm4b:s9+s3] =	stream.indirect_vreg.scatter [tilespmem:s30], [sflag:$0x1], $0x80, v5, vm0, $0xb8;
	[tilespmem:$0x19180] =	vst v63  }
0xb1: {  	s31 =	simm.s32 $0xE980  }
0xb2: {  	[hbm4b:s4+s3] =	stream.indirect_vreg.scatter [tilespmem:s31], [sflag:$0x1], $0x80, v4, vm0, $0xb8;
	[tilespmem:$0x19180] =	vst v63  }
0xb3: {  	s30 =	simm.s32 $0xF180  }
0xb4: {  	[hbm4b:s8+s3] =	stream.indirect_vreg.scatter [tilespmem:s30], [sflag:$0x1], $0x80, v4, vm0, $0xb8;
	[tilespmem:$0x19180] =	vst v63  }
0xb5: {  	s31 =	simm.s32 $0xF980  }
0xb6: {  	[hbm4b:s9+s3] =	stream.indirect_vreg.scatter [tilespmem:s31], [sflag:$0x1], $0x80, v4, vm0, $0xb8;
	[tilespmem:$0x19180] =	vst v63  }
0xb7: {  	v4 =	vld [tilespmem:$0x1150];
	_ =	sdelay $0x4  }
0xb8: {  	v5 =	vshrl.u32 v4, $0x3  }
0xb9: {  	v5 =	vmul.u32 $0x30, v5  }
0xba: {  	v4 =	vand.u32 $0x7, v4  }
0xbb: {  	v4 =	vor.u32 v4, v5  }
0xbc: {  	v5 =	vperm.xlane v4, v1;
	_ =	sdelay $0x1  }
0xbd: {  	v5 =	vadd.s32 v2, v5;
	_ =	sdelay $0x3  }
0xbe: {  	s30 =	simm.s32 $0x10180;
	v4 =	vperm.xlane v4, v3  }
0xbf: {  	[hbm4b:s4+s3] =	stream.indirect_vreg.scatter [tilespmem:s30], [sflag:$0x1], $0x80, v5, vm0, $0xb8;
	[tilespmem:$0x19180] =	vst v63  }
0xc0: {  	s31 =	simm.s32 $0x10980;
	v4 =	vadd.s32 v2, v4  }
0xc1: {  	[hbm4b:s8+s3] =	stream.indirect_vreg.scatter [tilespmem:s31], [sflag:$0x1], $0x80, v5, vm0, $0xb8;
	[tilespmem:$0x19180] =	vst v63  }
0xc2: {  	s30 =	simm.s32 $0x11180  }
0xc3: {  	[hbm4b:s9+s3] =	stream.indirect_vreg.scatter [tilespmem:s30], [sflag:$0x1], $0x80, v5, vm0, $0xb8;
	[tilespmem:$0x19180] =	vst v63  }
0xc4: {  	s31 =	simm.s32 $0x11980  }
0xc5: {  	[hbm4b:s4+s3] =	stream.indirect_vreg.scatter [tilespmem:s31], [sflag:$0x1], $0x80, v4, vm0, $0xb8;
	[tilespmem:$0x19180] =	vst v63  }
0xc6: {  	s30 =	simm.s32 $0x12180  }
0xc7: {  	[hbm4b:s8+s3] =	stream.indirect_vreg.scatter [tilespmem:s30], [sflag:$0x1], $0x80, v4, vm0, $0xb8;
	[tilespmem:$0x19180] =	vst v63  }
0xc8: {  	s31 =	simm.s32 $0x12980  }
0xc9: {  	[hbm4b:s9+s3] =	stream.indirect_vreg.scatter [tilespmem:s31], [sflag:$0x1], $0x80, v4, vm0, $0xb8;
	[tilespmem:$0x19180] =	vst v63  }
0xca: {  	v4 =	vld [tilespmem:$0x1160];
	_ =	sdelay $0x4  }
0xcb: {  	v5 =	vshrl.u32 v4, $0x3  }
0xcc: {  	v5 =	vmul.u32 $0x30, v5  }
0xcd: {  	v4 =	vand.u32 $0x7, v4  }
0xce: {  	v4 =	vor.u32 v4, v5  }
0xcf: {  	v5 =	vperm.xlane v4, v1;
	_ =	sdelay $0x1  }
0xd0: {  	v5 =	vadd.s32 v2, v5;
	_ =	sdelay $0x3  }
0xd1: {  	s30 =	simm.s32 $0x13180;
	v4 =	vperm.xlane v4, v3  }
0xd2: {  	[hbm4b:s4+s3] =	stream.indirect_vreg.scatter [tilespmem:s30], [sflag:$0x1], $0x80, v5, vm0, $0xb8;
	[tilespmem:$0x19180] =	vst v63  }
0xd3: {  	s31 =	simm.s32 $0x13980;
	v4 =	vadd.s32 v2, v4  }
0xd4: {  	[hbm4b:s8+s3] =	stream.indirect_vreg.scatter [tilespmem:s31], [sflag:$0x1], $0x80, v5, vm0, $0xb8;
	[tilespmem:$0x19180] =	vst v63  }
0xd5: {  	s30 =	simm.s32 $0x14180  }
0xd6: {  	[hbm4b:s9+s3] =	stream.indirect_vreg.scatter [tilespmem:s30], [sflag:$0x1], $0x80, v5, vm0, $0xb8;
	[tilespmem:$0x19180] =	vst v63  }
0xd7: {  	s31 =	simm.s32 $0x14980  }
0xd8: {  	[hbm4b:s4+s3] =	stream.indirect_vreg.scatter [tilespmem:s31], [sflag:$0x1], $0x80, v4, vm0, $0xb8;
	[tilespmem:$0x19180] =	vst v63  }
0xd9: {  	_ = 	snop  }
0xda: {  	[hbm4b:s8+s3] =	stream.indirect_vreg.scatter [tilespmem:s2], [sflag:$0x1], $0x80, v4, vm0, $0xb8;
	[tilespmem:$0x19180] =	vst v63  }
0xdb: {  	_ = 	snop  }
0xdc: {  	[hbm4b:s9+s3] =	stream.indirect_vreg.scatter [tilespmem:s1], [sflag:$0x1], $0x80, v4, vm0, $0xb8;
	[tilespmem:$0x19180] =	vst v63  }
0xdd: {  	v4 =	vld [tilespmem:$0x1170];
	_ =	sdelay $0x4  }
0xde: {  	v5 =	vshrl.u32 v4, $0x3  }
0xdf: {  	v5 =	vmul.u32 $0x30, v5  }
0xe0: {  	v4 =	vand.u32 $0x7, v4  }
0xe1: {  	v4 =	vor.u32 v4, v5  }
0xe2: {  	v5 =	vperm.xlane v4, v1;
	_ =	sdelay $0x1  }
0xe3: {  	v5 =	vadd.s32 v2, v5;
	_ =	sdelay $0x3  }
0xe4: {  	v4 =	vperm.xlane v4, v3  }
0xe5: {  	[hbm4b:s4+s3] =	stream.indirect_vreg.scatter [tilespmem:s21], [sflag:$0x1], $0x80, v5, vm0, $0xb8;
	[tilespmem:$0x19180] =	vst v63  }
0xe6: {  	v4 =	vadd.s32 v2, v4  }
0xe7: {  	[hbm4b:s8+s3] =	stream.indirect_vreg.scatter [tilespmem:s22], [sflag:$0x1], $0x80, v5, vm0, $0xb8;
	[tilespmem:$0x19180] =	vst v63  }
0xe8: {  	_ = 	snop  }
0xe9: {  	[hbm4b:s9+s3] =	stream.indirect_vreg.scatter [tilespmem:s23], [sflag:$0x1], $0x80, v5, vm0, $0xb8;
	[tilespmem:$0x19180] =	vst v63  }
0xea: {  	_ = 	snop  }
0xeb: {  	[hbm4b:s4+s3] =	stream.indirect_vreg.scatter [tilespmem:s24], [sflag:$0x1], $0x80, v4, vm0, $0xb8;
	[tilespmem:$0x19180] =	vst v63  }
0xec: {  	_ = 	snop  }
0xed: {  	[hbm4b:s8+s3] =	stream.indirect_vreg.scatter [tilespmem:s25], [sflag:$0x1], $0x80, v4, vm0, $0xb8;
	[tilespmem:$0x19180] =	vst v63  }
0xee: {  	_ = 	snop  }
0xef: {  	[hbm4b:s9+s3] =	stream.indirect_vreg.scatter [tilespmem:s14], [sflag:$0x1], $0x80, v4, vm0, $0xb8;
	[tilespmem:$0x19180] =	vst v63  }
0xf0: {  	_ = 	snop  }
0xf1: {  	[hbm4b:s10+s3] =	stream.linear.scatter [tilespmem:s26], [sflag:$0x3], $0x80, $0x38;
	[tilespmem:$0x19180] =	vst v63  }
0xf2: {  	_ =	swait.ge [sflag:s17], $0x80  }
0xf3: {  	[sflag:s17] =	ssyncset.done $0x0  }
0xf4: {  	s0 =	simm.s32 @!p2 $0x0;
	s30 =	simm.s32 @!p2 $0x1080;
	[sflag:s17] =	ssyncadd.s32 $0xFFFFFF80  }
0xf5: {  	[hbm4b:s5+s0] =	stream.linear.scatter @!p2 [tilespmem:s30], [sflag:$0x3], $0x80, $0x38;
	[tilespmem:$0x19180] =	vst v63  }
0xf6: {  	s30 =	simm.s32 @!p2 $0x3  }
0xf7: {  	_ =	swait.ge @!p2 [sflag:s30], $0x80  }
0xf8: {  	[sflag:s30] =	ssyncset.done @!p2 $0x0  }
0xf9: {  	s29 =	sadd.s32 $0x1, s29;
	s31 =	simm.s32 @!p2 $0x1000;
	[sflag:s30] =	ssyncadd.s32 @!p2 $0xFFFFFF80  }
0xfa: {  	[hbm4b:s11+s0] =	stream.linear.scatter @!p2 [tilespmem:s31], [sflag:$0x3], $0x80, $0x38;
	[tilespmem:$0x19180] =	vst v63  }
0xfb: {  	p3 =	sne.s32 s29, s12;
	_ =	swait.ge @!p2 [sflag:s30], $0x80  }
.Ltmp1:
0xfc: {  	[sflag:s30] =	ssyncset.done @!p2 $0x0;
	(pc) =	sbr.rel @!p3 .LBB2_10-.Ltmp1, $4  }
0xfd: {  	[sflag:s30] =	ssyncadd.s32 @!p2 $0xFFFFFF80  }
0xfe: {  	_ =	swait.ge [sflag:s28], $0x18000  }
0xff: {  	[sflag:s28] =	ssyncset.done $0x0  }
0x100: {  	[sflag:s28] =	ssyncadd.s32 $0xFFFE8000  }
.LBB2_1:
0x101: {  	[tilespmem:s16], [sflag:$0x2] =	stream.linear.gather [hbm4b:s6+s3], $0x18000, $0x38;
	[tilespmem:$0x19180] =	vst v63  }
0x102: {  	s0 =	rddreg [dreg:$0x0]  }
0x103: {  	[tilespmem:s3], [sflag:$0x3] =	stream.linear.gather [hbm4b:s0+s3], $0x1000, $0x38;
	[tilespmem:$0x19180] =	vst v63  }
0x104: {  	_ =	swait.ge [sflag:s17], $0x1000  }
0x105: {  	[sflag:s17] =	ssyncset.done $0x0  }
.Ltmp2:
0x106: {  	[sflag:s17] =	ssyncadd.s32 $0xFFFFF000;
	(pc) =	sbr.rel @p0 .LBB2_5-.Ltmp2, $4  }
0x107: {  	[tilespmem:$0x1000] =	vst v0  }
0x108: {  	[tilespmem:$0x1010] =	vst v0  }
0x109: {  	[tilespmem:$0x1020] =	vst v0  }
0x10a: {  	[tilespmem:$0x1030] =	vst v0  }
0x10b: {  	p3 =	sne.s32 s13, $0x1  }
.Ltmp3:
0x10c: {  	_ = 	snop;
	(pc) =	sbr.rel @!p3 .LBB2_4-.Ltmp3, $2  }
0x10d: {  	_ =	sdelay $0x2  }
0x10e: {  	v4 =	vld [tilespmem:s3+$0x0];
	s30 =	sadd.s32 $0xFFFFFFFF, s13;
	s31 =	simm.s32 $0x0  }
.LBB2_3:
0x10f: {  	p3 =	sne.s32 s30, $0x1;
	_ =	sdelay $0x3  }
0x110: {  	(xrf1) =	vunique.msk.u32 $0xffff, v4;
	_ =	sdelay $0xc  }
0x111: {  	v5 =	vld.idx.msk [tilespmem:v4+s18+$0x0], $0xffff  }
0x112: {  	_, v6, vm1 =	vpop (xrf1);
	_ =	sdelay $0x2  }
.Ltmp4:
0x113: {  	(pc) =	sbr.rel @p3 .LBB2_3-.Ltmp4, $4  }
0x114: {  	_ = 	snop  }
0x115: {  	v5 =	vadd.s32 v5, v6  }
0x116: {  	s31 =	sadd.s32 $0x10, s31;
	[tilespmem:v4+s18+$0x0] =	vst.idx.msk vm1, v5  }
0x117: {  	s30 =	sadd.s32 $0xFFFFFFFF, s30;
	v4 =	vld [tilespmem:s31+$0x0]  }
.LBB2_4:
0x118: {  	_ =	sdelay $0x3  }
0x119: {  	(xrf1) =	vunique.msk.u32 $0xffff, v4;
	_ =	sdelay $0xd  }
0x11a: {  	v5 =	vld.idx.msk [tilespmem:v4+s18+$0x0], $0xffff;
	_, v6, vm1 =	vpop (xrf1);
	_ =	sdelay $0x4  }
0x11b: {  	v5 =	vadd.s32 v5, v6  }
0x11c: {  	[tilespmem:v4+s18+$0x0] =	vst.idx.msk vm1, v5  }
.LBB2_5:
0x11d: {  	v4 =	vld [tilespmem:s7+$0x0];
	_ =	sdelay $0x4  }
0x11e: {  	(xrf1) =	vunique.msk.u32 $0xffff, v4;
	_ =	sdelay $0xd  }
0x11f: {  	v6 =	vld.idx.msk [tilespmem:v4+s18+$0x0], $0xffff;
	_, v5, vm1 =	vpop (xrf1);
	_ =	sdelay $0x4  }
0x120: {  	v6 =	vadd.s32 v6, v5  }
0x121: {  	[tilespmem:v4+s18+$0x0] =	vst.idx.msk vm1, v6  }
0x122: {  	v5 =	vld [tilespmem:s7+$0x10];
	_ =	sdelay $0x4  }
0x123: {  	(xrf1) =	vunique.msk.u32 $0xffff, v5;
	_ =	sdelay $0xd  }
0x124: {  	v8 =	vld.idx.msk [tilespmem:v5+s18+$0x0], $0xffff;
	_, v7, vm1 =	vpop (xrf1);
	_ =	sdelay $0x4  }
0x125: {  	v8 =	vadd.s32 v8, v7  }
0x126: {  	[tilespmem:v5+s18+$0x0] =	vst.idx.msk vm1, v8  }
0x127: {  	v7 =	vld [tilespmem:s7+$0x20];
	_ =	sdelay $0x4  }
0x128: {  	(xrf1) =	vunique.msk.u32 $0xffff, v7;
	_ =	sdelay $0xd  }
0x129: {  	v10 =	vld.idx.msk [tilespmem:v7+s18+$0x0], $0xffff;
	_, v9, vm1 =	vpop (xrf1);
	_ =	sdelay $0x4  }
0x12a: {  	v10 =	vadd.s32 v10, v9  }
0x12b: {  	[tilespmem:v7+s18+$0x0] =	vst.idx.msk vm1, v10  }
0x12c: {  	v9 =	vld [tilespmem:s7+$0x30];
	_ =	sdelay $0x4  }
0x12d: {  	(xrf1) =	vunique.msk.u32 $0xffff, v9;
	_ =	sdelay $0xd  }
0x12e: {  	v12 =	vld.idx.msk [tilespmem:v9+s18+$0x0], $0xffff;
	_, v11, vm1 =	vpop (xrf1);
	_ =	sdelay $0x4  }
0x12f: {  	v12 =	vadd.s32 v12, v11  }
0x130: {  	[tilespmem:v9+s18+$0x0] =	vst.idx.msk vm1, v12  }
0x131: {  	v11 =	vld [tilespmem:s7+$0x40];
	_ =	sdelay $0x4  }
0x132: {  	(xrf1) =	vunique.msk.u32 $0xffff, v11;
	_ =	sdelay $0xd  }
0x133: {  	v14 =	vld.idx.msk [tilespmem:v11+s18+$0x0], $0xffff;
	_, v13, vm1 =	vpop (xrf1);
	_ =	sdelay $0x4  }
0x134: {  	v14 =	vadd.s32 v14, v13  }
0x135: {  	[tilespmem:v11+s18+$0x0] =	vst.idx.msk vm1, v14  }
0x136: {  	v13 =	vld [tilespmem:s7+$0x50];
	_ =	sdelay $0x4  }
0x137: {  	(xrf1) =	vunique.msk.u32 $0xffff, v13;
	_ =	sdelay $0xd  }
0x138: {  	v16 =	vld.idx.msk [tilespmem:v13+s18+$0x0], $0xffff;
	_, v15, vm1 =	vpop (xrf1);
	_ =	sdelay $0x4  }
0x139: {  	v18 =	vadd.s32 v16, v15  }
0x13a: {  	[tilespmem:v13+s18+$0x0] =	vst.idx.msk vm1, v18  }
0x13b: {  	v15 =	vld [tilespmem:s7+$0x60];
	_ =	sdelay $0x4  }
0x13c: {  	(xrf1) =	vunique.msk.u32 $0xffff, v15;
	_ =	sdelay $0xd  }
0x13d: {  	v17 =	vld.idx.msk [tilespmem:v15+s18+$0x0], $0xffff;
	_, v16, vm1 =	vpop (xrf1);
	_ =	sdelay $0x4  }
0x13e: {  	v19 =	vadd.s32 v17, v16  }
0x13f: {  	[tilespmem:v15+s18+$0x0] =	vst.idx.msk vm1, v19  }
0x140: {  	v17 =	vld [tilespmem:s7+$0x70];
	_ =	sdelay $0x4  }
0x141: {  	(xrf1) =	vunique.msk.u32 $0xffff, v17;
	_ =	sdelay $0xd  }
0x142: {  	v20 =	vld.idx.msk [tilespmem:v17+s18+$0x0], $0xffff;
	_, v16, vm1 =	vpop (xrf1);
	_ =	sdelay $0x1  }
.Ltmp5:
0x143: {  	_ = 	snop;
	(pc) =	sbr.rel @p1 .LBB2_9-.Ltmp5, $3  }
0x144: {  	_ =	sdelay $0x1  }
0x145: {  	v16 =	vadd.s32 v20, v16  }
0x146: {  	[tilespmem:v17+s18+$0x0] =	vst.idx.msk vm1, v16  }
0x147: {  	v20 =	vld [tilespmem:s15+$0x0];
	_ =	sdelay $0x4  }
0x148: {  	(xrf1) =	vunique.msk.u32 $0xffff, v20;
	_ =	sdelay $0xb  }
0x149: {  	s0 =	rddreg [dreg:$0x4]  }
0x14a: {  	s30 =	sadd.s32 $0x1, s0  }
0x14b: {  	p3 =	slt.u32 s30, $0xFF;
	v21 =	vld.idx.msk [tilespmem:v20+s18+$0x0], $0xffff;
	_, v22, vm1 =	vpop (xrf1)  }
.Ltmp6:
0x14c: {  	_ = 	snop;
	(pc) =	sbr.rel @!p3 .LBB2_8-.Ltmp6, $2  }
0x14d: {  	_ =	sdelay $0x2  }
0x14e: {  	s31 =	smov.u32 s15;
	v21 =	vadd.s32 v21, v22  }
.LBB2_7:
0x14f: {  	s30 =	sadd.s32 $0x1, s30;
	[tilespmem:v20+s18+$0x0] =	vst.idx.msk vm1, v21;
	s31 =	sadd.s32 $0x10, s31  }
0x150: {  	v20 =	vld [tilespmem:s31+$0x0];
	p3 =	slt.u32 s30, $0xFF;
	_ =	sdelay $0x4  }
0x151: {  	(xrf1) =	vunique.msk.u32 $0xffff, v20;
	_ =	sdelay $0xc  }
0x152: {  	v21 =	vld.idx.msk [tilespmem:v20+s18+$0x0], $0xffff  }
0x153: {  	_, v22, vm1 =	vpop (xrf1)  }
.Ltmp7:
0x154: {  	(pc) =	sbr.rel @p3 .LBB2_7-.Ltmp7, $2  }
0x155: {  	_ =	sdelay $0x2  }
0x156: {  	v21 =	vadd.s32 v21, v22  }
.Ltmp8:
0x157: {  	_ = 	snop;
	(pc) =	sbr.rel .LBB2_8-.Ltmp8, $1  }
0x158: {  	_ =	sdelay $0x3  }
.LBB2_10:
0x159: {  	_ =	sfence.sel $0x180000  }
0x15a: {  	[bflag:$0x0] =	sbarrier.arrive $0xFFFF  }
0x15b: {  	_ =	strace $0x90000047  }
0x15c: {  	s0 =	stileid.u32;
	[bflag:$0x2] =	sbarrier.arrive $0xFFFF  }
0x15d: {  	p0 =	sne.s32 s0, $0x0;
	s0 =	rddreg [dreg:$0x3]  }
0x15e: {  	s0 =	sadd.s32 @!p0 $0x100000, s0  }
0x15f: {  	[sflag:s0] =	ssyncadd.tile.s32 @!p0 $0x1;
	_ =	shalt  }
.Lfunc_end2:
_tile_overlayer_lowered:
.L_overlay_start_2:
0x160: {  	(tag) =	ssettag $0x2  }
0x161: {  	s0 =	rddreg [dreg:$0x0];
	s2 =	stileid.u32  }
0x162: {  	s1 =	rddreg [dreg:$0x1];
	p0 =	sne.s32 s2, $0x0  }
0x163: {  	s3 =	rddreg [dreg:$0x2];
	[bflag:$0x3] =	sbarrier.arrive $0xFFFF;
	s2 =	simm.s32 @!p0 $0x1C03  }
0x164: {  	[timem:s3], [sflag:s2] =	dma.local @!p0 [hbm:s0], s1  }
0x165: {  	s0 =	simm.s32 @!p0 $0x3  }
0x166: {  	_ =	swait.ge @!p0 [sflag:s0], s1  }
0x167: {  	s1 =	ssub.s32 @!p0 $0x0, s1;
	[sflag:s0] =	ssyncset.done @!p0 $0x0  }
0x168: {  	[sflag:s0] =	ssyncadd.s32 @!p0 s1  }
0x169: {  	[bflag:$0x3] =	sbarrier.arrive $0xFFFF  }
0x16a: {  	_ =	shalt  }

// kernel: kernel.9.cloned.1.call-start
scs
__scs_entry_jumppad:
0x0: {  	(pc) =	sbr.rel $0x88, $3  }
0x1: {  	(tag) =	ssettag $0x0;
	lr =	simm.s32 $0x1  }
0x2: {  	[smem:$0x3F9C] =	sst lr;
	_ =	strace $0xD0000000  }
0x3: {  	_ = 	snop  }
0x4: {  	_ = 	snop  }
0x5: {  	_ = 	snop  }
0x6: {  	_ = 	snop  }
0x7: {  	_ = 	snop  }
__scs_overlays_trampoline_lowered:
0x8: {  	[smem:$0x3FAB] =	sst s0  }
0x9: {  	[smem:$0x3FAC] =	sst s1  }
0xa: {  	[smem:$0x3FAD] =	sst s2  }
0xb: {  	[smem:$0x3FAE] =	sst s3  }
0xc: {  	[smem:$0x3FAF] =	sst s4  }
0xd: {  	[smem:$0x3FB0] =	sst s5  }
0xe: {  	[smem:$0x3FB1] =	sst s6  }
0xf: {  	[smem:$0x3FB2] =	sst s7  }
0x10: {  	[smem:$0x3FB3] =	sst s8  }
0x11: {  	[smem:$0x3FB4] =	sst s9;
	s0 =	simm.s32 @!p0 $0x0  }
0x12: {  	s1 =	sld [smem:$0x3F9A];
	s0 =	simm.s32 @p0 $0x1  }
0x13: {  	[smem:$0x3FB5] =	sst s0;
	s0 =	simm.s32 @!p1 $0x0  }
0x14: {  	s2 =	sld [smem:$0x3F99];
	s0 =	simm.s32 @p1 $0x1  }
0x15: {  	[smem:$0x3FB6] =	sst s0;
	s0 =	simm.s32 @!p2 $0x0  }
0x16: {  	s3 =	sld [smem:$0x3FDB];
	s0 =	simm.s32 @p2 $0x1  }
0x17: {  	s4 =	simm.s32 $0x1BF5;
	[smem:$0x3FB8] =	sst s0  }
0x18: {  	s0 =	sld [smem:$0x3F9B];
	_ =	swait.ge [sflag:s4], $0x0  }
0x19: {  	s7 =	sld [smem:$0x3F9C]  }
0x1a: {  	s8 =	sadd.s32 $0xFFFFE003, lr  }
0x1b: {  	s9 =	sadd.s32 $0xFFFFFEF7, lr;
	s5 =	simm.s32 $0xFFFFFFFF;
	p2 =	slt.u32 s8, $0xFFFFF086  }
0x1c: {  	p1 =	slt.u32 s9, $0xF7A;
	s5 =	simm.s32 @!p2 $0x0  }
0x1d: {  	s5 =	simm.s32 @p1 $0x1;
	p0 =	seq.s32 s7, s2  }
0x1e: {  	s7 =	smul.u32 @!p0 $0xF7A, s2;
	p2 =	seq.s32 @!p0 s5, $0x0  }
0x1f: {  	s9 =	smul.u32 $0xF7A, s1;
	s8 =	simm.s32 @!p0 $0x1BF5;
	p2 =	por !p2, p0  }
0x20: {  	[sflag:s8] =	ssyncset.s32 @!p0 $0xFFFFF086;
	s6 =	sadd.s32 @!p0 s3, s7;
	s7 =	simm.s32 @!p0 $0x108  }
0x21: {  	s3 =	sadd.s32 s3, s9;
	s6 =	sadd.s32 @!p0 $0x88, s6;
	s7 =	simm.s32 @p2 $0x1082  }
0x22: {  	[simem:s7], [sflag:s8] =	dma.local @!p0 [hbm:s6], $0xF7A  }
0x23: {  	s9 =	sor.u32 $0xD0000000, s2;
	s6 =	simm.s32 $0x108;
	_ =	swait.ge @!p0 [sflag:s8], $0x0  }
0x24: {  	s3 =	sadd.s32 $0x88, s3;
	s6 =	simm.s32 @!p1 $0x1082;
	[sflag:s4] =	ssyncset.s32 $0xFFFFF086  }
0x25: {  	[simem:s6], [sflag:s4] =	dma.local [hbm:s3], $0xF7A  }
0x26: {  	[smem:$0x3F9C] =	sst s1;
	(tag) =	ssettag s2;
	_ =	strace s9  }
0x27: {  	s1 =	sld [smem:$0x3FAC]  }
0x28: {  	s2 =	sld [smem:$0x3FAD]  }
0x29: {  	s4 =	sld [smem:$0x3FAF]  }
0x2a: {  	p0 =	seq.s32 s5, $0x0;
	s5 =	sld [smem:$0x3FB0]  }
0x2b: {  	s6 =	sld [smem:$0x3FB1]  }
0x2c: {  	s7 =	sld [smem:$0x3FB2]  }
0x2d: {  	s3 =	simm.s32 $0x108;
	s8 =	sld [smem:$0x3FB3]  }
0x2e: {  	s3 =	simm.s32 @!p0 $0x1082;
	s9 =	sld [smem:$0x3FB4]  }
0x2f: {  	lr =	sadd.s32 s0, s3;
	s0 =	sld [smem:$0x3FAB]  }
0x30: {  	s3 =	sld [smem:$0x3FAE]  }
0x31: {  	[smem:$0x3FB7] =	sst s10  }
0x32: {  	s10 =	sld [smem:$0x3FB5];
	_ =	sdelay $0x3  }
0x33: {  	p0 =	seq.s32 s10, $0x1;
	s10 =	sld [smem:$0x3FB7];
	_ =	sdelay $0x3  }
0x34: {  	[smem:$0x3FB7] =	sst s10  }
0x35: {  	s10 =	sld [smem:$0x3FB6];
	_ =	sdelay $0x3  }
0x36: {  	p1 =	seq.s32 s10, $0x1;
	s10 =	sld [smem:$0x3FB7];
	_ =	sdelay $0x3  }
0x37: {  	[smem:$0x3FB7] =	sst s10  }
0x38: {  	s10 =	sld [smem:$0x3FB8]  }
0x39: {  	_ = 	snop;
	(pc) =	sbr.ind lr, $3  }
0x3a: {  	_ = 	snop  }
0x3b: {  	_ = 	snop  }
0x3c: {  	p2 =	seq.s32 s10, $0x1;
	s10 =	sld [smem:$0x3FB7]  }
0x3d: {  	_ =	shalt  }
0x3e: {  	_ =	shalt  }
0x3f: {  	_ =	shalt  }
0x40: {  	_ =	shalt  }
0x41: {  	_ =	shalt  }
0x42: {  	_ =	shalt  }
0x43: {  	_ =	shalt  }
0x44: {  	_ =	shalt  }
0x45: {  	_ =	shalt  }
0x46: {  	_ =	shalt  }
0x47: {  	_ =	shalt  }
0x48: {  	_ =	shalt  }
0x49: {  	_ =	shalt  }
0x4a: {  	_ =	shalt  }
0x4b: {  	_ =	shalt  }
0x4c: {  	_ =	shalt  }
0x4d: {  	_ =	shalt  }
0x4e: {  	_ =	shalt  }
0x4f: {  	_ =	shalt  }
0x50: {  	_ =	shalt  }
0x51: {  	_ =	shalt  }
0x52: {  	_ =	shalt  }
0x53: {  	_ =	shalt  }
0x54: {  	_ =	shalt  }
0x55: {  	_ =	shalt  }
0x56: {  	_ =	shalt  }
0x57: {  	_ =	shalt  }
0x58: {  	_ =	shalt  }
0x59: {  	_ =	shalt  }
0x5a: {  	_ =	shalt  }
0x5b: {  	_ =	shalt  }
0x5c: {  	_ =	shalt  }
0x5d: {  	_ =	shalt  }
0x5e: {  	_ =	shalt  }
0x5f: {  	_ =	shalt  }
0x60: {  	_ =	shalt  }
0x61: {  	_ =	shalt  }
0x62: {  	_ =	shalt  }
0x63: {  	_ =	shalt  }
0x64: {  	_ =	shalt  }
0x65: {  	_ =	shalt  }
0x66: {  	_ =	shalt  }
0x67: {  	_ =	shalt  }
0x68: {  	_ =	shalt  }
0x69: {  	_ =	shalt  }
0x6a: {  	_ =	shalt  }
0x6b: {  	_ =	shalt  }
0x6c: {  	_ =	shalt  }
0x6d: {  	_ =	shalt  }
0x6e: {  	_ =	shalt  }
0x6f: {  	_ =	shalt  }
0x70: {  	_ =	shalt  }
0x71: {  	_ =	shalt  }
0x72: {  	_ =	shalt  }
0x73: {  	_ =	shalt  }
0x74: {  	_ =	shalt  }
0x75: {  	_ =	shalt  }
0x76: {  	_ =	shalt  }
0x77: {  	_ =	shalt  }
0x78: {  	_ =	shalt  }
0x79: {  	_ =	shalt  }
0x7a: {  	_ =	shalt  }
0x7b: {  	_ =	shalt  }
0x7c: {  	_ =	shalt  }
0x7d: {  	_ =	shalt  }
0x7e: {  	_ =	shalt  }
0x7f: {  	_ =	shalt  }
0x80: {  	_ =	shalt  }
0x81: {  	_ =	shalt  }
0x82: {  	_ =	shalt  }
0x83: {  	_ =	shalt  }
0x84: {  	_ =	shalt  }
0x85: {  	_ =	shalt  }
0x86: {  	_ =	shalt  }
0x87: {  	_ =	shalt  }
.Lfunc_end0:
.L_simem_size_0:
called_computation.1_lowered:
.L_overlay_start_0:
0x88: {  	s2 =	sld [smem:$0x3FD9]  }
0x89: {  	s3 =	sld [smem:$0x3FFE];
	_ =	sdelay $0x1  }
0x8a: {  	s1 =	srdreg.scid  }
0x8b: {  	s0 =	sand.u32 $0x1, s1  }
0x8c: {  	s17 =	sshll.u32 s0, $0xA;
	s2 =	sadd.s32 s3, s2  }
0x8d: {  	s2 =	sadd.s32 s2, s17  }
0x8e: {  	[smem:$0x3FC3] =	sst s2  }
0x8f: {  	_ = 	snop  }
0x90: {  	s2 =	sld [smem:$0x3FD0];
	(tm) =	ssettm $0x1  }
0x91: {  	s18 =	sld [smem:$0x3FFB];
	_ =	sdelay $0x3  }
0x92: {  	_ =	strace s18  }
0x93: {  	s3 =	sld [smem:$0x3FFC];
	_ =	sdelay $0x3  }
0x94: {  	_ =	strace s3  }
0x95: {  	s3 =	sld [smem:$0x3FFD];
	_ =	sdelay $0x3  }
0x96: {  	_ =	strace s3  }
0x97: {  	_ =	strace $0x8FFFFFFF  }
0x98: {  	s19 =	sld [smem:$0x3FDB];
	_ =	sdelay $0x1  }
0x99: {  	s4 =	simm.s32 $_scs_section_size  }
0x9a: {  	s5 =	simm.s32 $_size__tile_overlayer_lowered;
	s6 =	simm.s32 $_tile_overlayer_lowered  }
0x9b: {  	s22 =	simm.s32 $0x1BFF;
	s21 =	sshll.u32 s6, $0x1;
	s3 =	sadd.s32 s4, s19  }
0x9c: {  	s7 =	simm.s32 $0x0;
	s20 =	sshll.u32 s5, $0x1;
	s5 =	sadd.s32 s21, s3  }
0x9d: {  	[timem:s7], [sflag:s22] =	dma.local [hbm:s5], s20  }
0x9e: {  	_ =	swait.ge [sflag:s22], s20  }
0x9f: {  	s4 =	ssub.s32 $0x0, s20;
	[sflag:s22] =	ssyncset.done $0x0  }
0xa0: {  	[sflag:s22] =	ssyncadd.s32 s4;
	_ =	sdelay $0x1  }
0xa1: {  	s23 =	simm.s32 $0x1B8B  }
0xa2: {  	_ =	swait.ge [sflag:s23], $0x1  }
0xa3: {  	[sflag:s23] =	ssyncset.done $0x0  }
0xa4: {  	s25 =	simm.s32 $0x1B8E;
	s24 =	sld [smem:$0x3FFE];
	[sflag:s23] =	ssyncadd.s32 $0xFFFFFFFF  }
0xa5: {  	s26 =	simm.s32 $execute0_lowered;
	[smem:$0x3FD2] =	sst s25  }
0xa6: {  	s5 =	sshll.u32 s26, $0x1;
	_ =	strace $0x80000049;
	[dreg:$0x1] =	wrdreg $0xFFFFFFFF  }
0xa7: {  	s28 =	simm.s32 $_size_execute0_lowered;
	s3 =	sadd.s32 s3, s5;
	[dreg:$0x0] =	wrdreg $0x0  }
0xa8: {  	s5 =	sshll.u32 s28, $0x1;
	[dreg:$0x2] =	wrdreg s3  }
0xa9: {  	[dreg:$0x3] =	wrdreg s5  }
0xaa: {  	[dreg:$0x4] =	wrdreg $0xC0  }
0xab: {  	_ =	task [dreg:s7], $0x5FFFF  }
0xac: {  	[dreg:$0x1] =	wrdreg $0xFFFFFFFF  }
0xad: {  	[dreg:$0x0] =	wrdreg $0x60  }
0xae: {  	[dreg:$0x2] =	wrdreg s24  }
0xaf: {  	[dreg:$0x3] =	wrdreg s2  }
0xb0: {  	[dreg:$0x4] =	wrdreg $0x9  }
0xb1: {  	_ =	task.clear_ibuf [dreg:s7], $0x5FFFF;
	_ =	strace $0x90000049  }
0xb2: {  	s29 =	simm.s32 $0x9;
	_ =	strace $0x8000004B  }
0xb3: {  	_ =	swait.ge [sflag:s29], $0x1  }
0xb4: {  	[sflag:s29] =	ssyncadd.s32 $0xFFFFFFFF  }
0xb5: {  	_ =	strace $0x9000004B  }
0xb6: {  	_ =	sfence  }
0xb7: {  	s30 =	sld [smem:$0x0];
	_ =	sdelay $0x2  }
0xb8: {  	s31 =	sshll.u32 s1, $0xD;
	s1 =	sshrl.u32 s1, $0x2  }
0xb9: {  	s3 =	sand.u32 $0x4000, s31;
	s1 =	sadd.s32 s1, s30  }
0xba: {  	s0 =	sor.u32 s3, s0;
	s1 =	sshll.u32 s1, $0x11  }
0xbb: {  	s0 =	sor.u32 s1, s0  }
0xbc: {  	s0 =	sadd.s32 $0x8F2B, s0  }
0xbd: {  	[sflag:s0] =	ssyncadd.remote.s32 $0x1  }
0xbe: {  	_ =	sfence.sel $0xFFFF  }
0xbf: {  	[dreg:$0x0] =	wrdreg $0xFFFFFFFF;
	(pc) =	sbr.abs _section_cstart, $3  }
0xc0: {  	[dreg:$0x1] =	wrdreg $0xFFFFFFFF  }
0xc1: {  	_ =	task.clear_ibuf [dreg:s7], $0x2FFFF;
	_ =	strace $0x9FFFFFFF  }
0xc2: {  	(tm) =	ssettm $0x7FFFFFFF  }
0xc3: {  	_ =	shalt  }
tec
execute0_lowered:
.L_overlay_start_1:
0x0: {  	(tag) =	ssettag $0x1  }
0x1: {  	s2 =	srdreg.scid;
	s1 =	rddreg [dreg:$0x0]  }
0x2: {  	s3 =	rddreg [dreg:$0x1];
	s4 =	sand.u32 $0x1, s2;
	s2 =	simm.s32 $0x0  }
0x3: {  	s0 =	stileid.u32;
	s25 =	simm.s32 $0x880;
	[smem:$0x7FF] =	sst s2  }
0x4: {  	s26 =	simm.s32 $0x1080;
	_ =	strace $0x8000004A;
	[dreg:$0x5] =	wrdreg s25  }
0x5: {  	s5 =	sshll.u32 s0, $0x5;
	s0 =	simm.s32 $0x1880;
	[dreg:$0x6] =	wrdreg s26  }
0x6: {  	s7 =	simm.s32 $0x3080;
	[dreg:$0x7] =	wrdreg s0  }
0x7: {  	s8 =	simm.s32 $0x3880;
	[dreg:$0xa] =	wrdreg s7  }
0x8: {  	s9 =	simm.s32 $0x4080;
	[dreg:$0xb] =	wrdreg s8  }
0x9: {  	s10 =	simm.s32 $0x4880;
	[dreg:$0xc] =	wrdreg s9  }
0xa: {  	s11 =	simm.s32 $0x5080;
	[dreg:$0xd] =	wrdreg s10  }
0xb: {  	s12 =	simm.s32 $0x5880;
	[dreg:$0xe] =	wrdreg s11  }
0xc: {  	s13 =	simm.s32 $0x6080;
	[dreg:$0xf] =	wrdreg s12  }
0xd: {  	s14 =	simm.s32 $0x6880;
	[dreg:$0x10] =	wrdreg s13  }
0xe: {  	s15 =	simm.s32 $0x7080;
	[dreg:$0x11] =	wrdreg s14  }
0xf: {  	s16 =	simm.s32 $0x7880;
	s17 =	simm.s32 $0x8080;
	[dreg:$0x12] =	wrdreg s15  }
0x10: {  	s18 =	simm.s32 $0x8880;
	s19 =	simm.s32 $0x9080;
	[dreg:$0x13] =	wrdreg s16  }
0x11: {  	s21 =	simm.s32 $0x9880;
	s22 =	simm.s32 $0xA080;
	[dreg:$0x14] =	wrdreg s17  }
0x12: {  	s23 =	simm.s32 $0xB080;
	s24 =	simm.s32 $0xB880;
	[dreg:$0x15] =	wrdreg s18  }
0x13: {  	s28 =	simm.s32 $0x16080;
	s29 =	simm.s32 $0x16880;
	[dreg:$0x16] =	wrdreg s19  }
0x14: {  	s30 =	simm.s32 $0x17080;
	s31 =	simm.s32 $0x17880;
	[dreg:$0x17] =	wrdreg s21  }
0x15: {  	s6 =	sshll.u32 s4, $0x4;
	s4 =	ssub.s32 $0x2, s4;
	[dreg:$0x18] =	wrdreg s22  }
0x16: {  	s5 =	sor.u32 s6, s5;
	s20 =	sshrl.u32 s4, $0x1;
	[dreg:$0x1a] =	wrdreg s23  }
0x17: {  	s7 =	simm.s32 $0xA880;
	[dreg:$0x1b] =	wrdreg s24;
	s25 =	simm.s32 $0xC080  }
0x18: {  	s8 =	simm.s32 $0x80;
	s26 =	simm.s32 $0xC880;
	s10 =	simm.s32 $0xD880  }
0x19: {  	s11 =	simm.s32 $0xE080;
	s12 =	simm.s32 $0xE880;
	s13 =	simm.s32 $0xF080  }
0x1a: {  	s14 =	simm.s32 $0xF880;
	s15 =	simm.s32 $0x10080;
	s16 =	simm.s32 $0x10880  }
0x1b: {  	s17 =	simm.s32 $0x11080;
	s18 =	simm.s32 $0x11880;
	s19 =	simm.s32 $0x12080  }
0x1c: {  	s21 =	simm.s32 $0x13080;
	s22 =	simm.s32 $0x13880;
	[dreg:$0x19] =	wrdreg s7  }
0x1d: {  	s6 =	sadd.s32 s5, s1;
	s5 =	smul.u32 $0x300, s5;
	[dreg:$0x1c] =	wrdreg s25  }
0x1e: {  	s23 =	simm.s32 $0x14080;
	[dreg:$0x1d] =	wrdreg s26;
	s6 =	sadd.s32 $0x73800, s6  }
0x1f: {  	s24 =	simm.s32 $0x14880;
	[dreg:$0x3] =	wrdreg s6;
	s3 =	sadd.s32 s3, s5  }
0x20: {  	s7 =	simm.s32 $0x2;
	s5 =	simm.s32 $0x2080;
	[dreg:$0x4] =	wrdreg s3  }
0x21: {  	s25 =	simm.s32 $0x15080;
	s6 =	simm.s32 $0x2880;
	[dreg:$0x8] =	wrdreg s5  }
0x22: {  	v2 =	vlaneseq.u32;
	s26 =	simm.s32 $0x15880;
	[dreg:$0x9] =	wrdreg s6;
	s3 =	sadd.s32 $0x1600, s1  }
0x23: {  	vm0 =	vmmov $0xffff;
	v1 =	vshrl.u32 v2, $0x3;
	s6 =	ssub.s32 s4, s20;
	s4 =	sadd.s32 $0x1700, s1;
	s5 =	sadd.s32 $0x1800, s1  }
0x24: {  	v0 =	vand.u32 $0x7, v2;
	v2 =	vor.u32 $0x8, v2;
	v1 =	vmul.u32 $0x8, v1;
	s20 =	simm.s32 $0x12880;
	s1 =	simm.s32 $0x1;
	s6 =	smax.u32 s6, $0x1  }
.LBB2_1:
0x25: {  	s0 =	rddreg [dreg:$0x3]  }
0x26: {  	[tilespmem:s2], [sflag:$0x2] =	stream.linear.gather [hbm4b:s0+s2], $0x80, $0x38;
	[tilespmem:$0x18080] =	vst v63  }
0x27: {  	_ =	swait.ge [sflag:s7], $0x80  }
0x28: {  	[sflag:s7] =	ssyncset.done $0x0  }
0x29: {  	[sflag:s7] =	ssyncadd.s32 $0xFFFFFF80  }
0x2a: {  	v3 =	vld [tilespmem:$0x0];
	_ =	sdelay $0x4  }
0x2b: {  	v4 =	vshrl.u32 v3, $0x3  }
0x2c: {  	v4 =	vmul.u32 $0x30, v4  }
0x2d: {  	v3 =	vand.u32 $0x7, v3  }
0x2e: {  	v3 =	vor.u32 v3, v4  }
0x2f: {  	v4 =	vperm.xlane v3, v0;
	_ =	sdelay $0x1  }
0x30: {  	v4 =	vadd.s32 v1, v4;
	_ =	sdelay $0x3  }
0x31: {  	v3 =	vperm.xlane v3, v2  }
0x32: {  	[tilespmem:s8], [sflag:$0x1] =	stream.indirect_vreg.gather [hbm4b:s3+s2], $0x80, v4, vm0, $0xb8;
	[tilespmem:$0x18080] =	vst v63  }
0x33: {  	s0 =	rddreg [dreg:$0x5];
	v3 =	vadd.s32 v1, v3  }
0x34: {  	[tilespmem:s0], [sflag:$0x1] =	stream.indirect_vreg.gather [hbm4b:s4+s2], $0x80, v4, vm0, $0xb8;
	[tilespmem:$0x18080] =	vst v63  }
0x35: {  	s9 =	rddreg [dreg:$0x6]  }
0x36: {  	[tilespmem:s9], [sflag:$0x1] =	stream.indirect_vreg.gather [hbm4b:s5+s2], $0x80, v4, vm0, $0xb8;
	[tilespmem:$0x18080] =	vst v63  }
0x37: {  	s0 =	rddreg [dreg:$0x7]  }
0x38: {  	[tilespmem:s0], [sflag:$0x1] =	stream.indirect_vreg.gather [hbm4b:s3+s2], $0x80, v3, vm0, $0xb8;
	[tilespmem:$0x18080] =	vst v63  }
0x39: {  	s9 =	rddreg [dreg:$0x8]  }
0x3a: {  	[tilespmem:s9], [sflag:$0x1] =	stream.indirect_vreg.gather [hbm4b:s4+s2], $0x80, v3, vm0, $0xb8;
	[tilespmem:$0x18080] =	vst v63  }
0x3b: {  	s0 =	rddreg [dreg:$0x9]  }
0x3c: {  	[tilespmem:s0], [sflag:$0x1] =	stream.indirect_vreg.gather [hbm4b:s5+s2], $0x80, v3, vm0, $0xb8;
	[tilespmem:$0x18080] =	vst v63  }
0x3d: {  	v3 =	vld [tilespmem:$0x10];
	_ =	sdelay $0x4  }
0x3e: {  	v57 =	vshrl.u32 v3, $0x3  }
0x3f: {  	v4 =	vmul.u32 $0x30, v57  }
0x40: {  	v3 =	vand.u32 $0x7, v3  }
0x41: {  	v3 =	vor.u32 v3, v4  }
0x42: {  	v4 =	vperm.xlane v3, v0;
	_ =	sdelay $0x1  }
0x43: {  	v4 =	vadd.s32 v1, v4;
	_ =	sdelay $0x3  }
0x44: {  	s0 =	rddreg [dreg:$0xa];
	v3 =	vperm.xlane v3, v2  }
0x45: {  	[tilespmem:s0], [sflag:$0x1] =	stream.indirect_vreg.gather [hbm4b:s3+s2], $0x80, v4, vm0, $0xb8;
	[tilespmem:$0x18080] =	vst v63  }
0x46: {  	s9 =	rddreg [dreg:$0xb];
	v3 =	vadd.s32 v1, v3  }
0x47: {  	[tilespmem:s9], [sflag:$0x1] =	stream.indirect_vreg.gather [hbm4b:s4+s2], $0x80, v4, vm0, $0xb8;
	[tilespmem:$0x18080] =	vst v63  }
0x48: {  	s0 =	rddreg [dreg:$0xc]  }
0x49: {  	[tilespmem:s0], [sflag:$0x1] =	stream.indirect_vreg.gather [hbm4b:s5+s2], $0x80, v4, vm0, $0xb8;
	[tilespmem:$0x18080] =	vst v63  }
0x4a: {  	s9 =	rddreg [dreg:$0xd]  }
0x4b: {  	[tilespmem:s9], [sflag:$0x1] =	stream.indirect_vreg.gather [hbm4b:s3+s2], $0x80, v3, vm0, $0xb8;
	[tilespmem:$0x18080] =	vst v63  }
0x4c: {  	s0 =	rddreg [dreg:$0xe]  }
0x4d: {  	[tilespmem:s0], [sflag:$0x1] =	stream.indirect_vreg.gather [hbm4b:s4+s2], $0x80, v3, vm0, $0xb8;
	[tilespmem:$0x18080] =	vst v63  }
0x4e: {  	s9 =	rddreg [dreg:$0xf]  }
0x4f: {  	[tilespmem:s9], [sflag:$0x1] =	stream.indirect_vreg.gather [hbm4b:s5+s2], $0x80, v3, vm0, $0xb8;
	[tilespmem:$0x18080] =	vst v63  }
0x50: {  	v3 =	vld [tilespmem:$0x20];
	_ =	sdelay $0x4  }
0x51: {  	v58 =	vshrl.u32 v3, $0x3  }
0x52: {  	v4 =	vmul.u32 $0x30, v58  }
0x53: {  	v3 =	vand.u32 $0x7, v3  }
0x54: {  	v3 =	vor.u32 v3, v4  }
0x55: {  	v4 =	vperm.xlane v3, v0;
	_ =	sdelay $0x1  }
0x56: {  	v4 =	vadd.s32 v1, v4;
	_ =	sdelay $0x3  }
0x57: {  	s0 =	rddreg [dreg:$0x10];
	v3 =	vperm.xlane v3, v2  }
0x58: {  	[tilespmem:s0], [sflag:$0x1] =	stream.indirect_vreg.gather [hbm4b:s3+s2], $0x80, v4, vm0, $0xb8;
	[tilespmem:$0x18080] =	vst v63  }
0x59: {  	s9 =	rddreg [dreg:$0x11];
	v3 =	vadd.s32 v1, v3  }
0x5a: {  	[tilespmem:s9], [sflag:$0x1] =	stream.indirect_vreg.gather [hbm4b:s4+s2], $0x80, v4, vm0, $0xb8;
	[tilespmem:$0x18080] =	vst v63  }
0x5b: {  	s0 =	rddreg [dreg:$0x12]  }
0x5c: {  	[tilespmem:s0], [sflag:$0x1] =	stream.indirect_vreg.gather [hbm4b:s5+s2], $0x80, v4, vm0, $0xb8;
	[tilespmem:$0x18080] =	vst v63  }
0x5d: {  	s9 =	rddreg [dreg:$0x13]  }
0x5e: {  	[tilespmem:s9], [sflag:$0x1] =	stream.indirect_vreg.gather [hbm4b:s3+s2], $0x80, v3, vm0, $0xb8;
	[tilespmem:$0x18080] =	vst v63  }
0x5f: {  	s0 =	rddreg [dreg:$0x14]  }
0x60: {  	[tilespmem:s0], [sflag:$0x1] =	stream.indirect_vreg.gather [hbm4b:s4+s2], $0x80, v3, vm0, $0xb8;
	[tilespmem:$0x18080] =	vst v63  }
0x61: {  	s9 =	rddreg [dreg:$0x15]  }
0x62: {  	[tilespmem:s9], [sflag:$0x1] =	stream.indirect_vreg.gather [hbm4b:s5+s2], $0x80, v3, vm0, $0xb8;
	[tilespmem:$0x18080] =	vst v63  }
0x63: {  	v3 =	vld [tilespmem:$0x30];
	_ =	sdelay $0x4  }
0x64: {  	v59 =	vshrl.u32 v3, $0x3  }
0x65: {  	v4 =	vmul.u32 $0x30, v59  }
0x66: {  	v3 =	vand.u32 $0x7, v3  }
0x67: {  	v3 =	vor.u32 v3, v4  }
0x68: {  	v4 =	vperm.xlane v3, v0;
	_ =	sdelay $0x1  }
0x69: {  	v4 =	vadd.s32 v1, v4;
	_ =	sdelay $0x3  }
0x6a: {  	s0 =	rddreg [dreg:$0x16];
	v3 =	vperm.xlane v3, v2  }
0x6b: {  	[tilespmem:s0], [sflag:$0x1] =	stream.indirect_vreg.gather [hbm4b:s3+s2], $0x80, v4, vm0, $0xb8;
	[tilespmem:$0x18080] =	vst v63  }
0x6c: {  	s9 =	rddreg [dreg:$0x17];
	v3 =	vadd.s32 v1, v3  }
0x6d: {  	[tilespmem:s9], [sflag:$0x1] =	stream.indirect_vreg.gather [hbm4b:s4+s2], $0x80, v4, vm0, $0xb8;
	[tilespmem:$0x18080] =	vst v63  }
0x6e: {  	s0 =	rddreg [dreg:$0x18]  }
0x6f: {  	[tilespmem:s0], [sflag:$0x1] =	stream.indirect_vreg.gather [hbm4b:s5+s2], $0x80, v4, vm0, $0xb8;
	[tilespmem:$0x18080] =	vst v63  }
0x70: {  	s9 =	rddreg [dreg:$0x19]  }
0x71: {  	[tilespmem:s9], [sflag:$0x1] =	stream.indirect_vreg.gather [hbm4b:s3+s2], $0x80, v3, vm0, $0xb8;
	[tilespmem:$0x18080] =	vst v63  }
0x72: {  	s0 =	rddreg [dreg:$0x1a]  }
0x73: {  	[tilespmem:s0], [sflag:$0x1] =	stream.indirect_vreg.gather [hbm4b:s4+s2], $0x80, v3, vm0, $0xb8;
	[tilespmem:$0x18080] =	vst v63  }
0x74: {  	s9 =	rddreg [dreg:$0x1b]  }
0x75: {  	[tilespmem:s9], [sflag:$0x1] =	stream.indirect_vreg.gather [hbm4b:s5+s2], $0x80, v3, vm0, $0xb8;
	[tilespmem:$0x18080] =	vst v63  }
0x76: {  	v3 =	vld [tilespmem:$0x40];
	_ =	sdelay $0x4  }
0x77: {  	v60 =	vshrl.u32 v3, $0x3  }
0x78: {  	v4 =	vmul.u32 $0x30, v60  }
0x79: {  	v3 =	vand.u32 $0x7, v3  }
0x7a: {  	v3 =	vor.u32 v3, v4  }
0x7b: {  	v4 =	vperm.xlane v3, v0;
	_ =	sdelay $0x1  }
0x7c: {  	v4 =	vadd.s32 v1, v4;
	_ =	sdelay $0x3  }
0x7d: {  	s0 =	rddreg [dreg:$0x1c];
	v3 =	vperm.xlane v3, v2  }
0x7e: {  	[tilespmem:s0], [sflag:$0x1] =	stream.indirect_vreg.gather [hbm4b:s3+s2], $0x80, v4, vm0, $0xb8;
	[tilespmem:$0x18080] =	vst v63  }
0x7f: {  	s9 =	rddreg [dreg:$0x1d];
	v3 =	vadd.s32 v1, v3  }
0x80: {  	[tilespmem:s9], [sflag:$0x1] =	stream.indirect_vreg.gather [hbm4b:s4+s2], $0x80, v4, vm0, $0xb8;
	[tilespmem:$0x18080] =	vst v63  }
0x81: {  	s9 =	simm.s32 $0xD080  }
0x82: {  	[tilespmem:s9], [sflag:$0x1] =	stream.indirect_vreg.gather [hbm4b:s5+s2], $0x80, v4, vm0, $0xb8;
	[tilespmem:$0x18080] =	vst v63  }
0x83: {  	_ = 	snop  }
0x84: {  	[tilespmem:s10], [sflag:$0x1] =	stream.indirect_vreg.gather [hbm4b:s3+s2], $0x80, v3, vm0, $0xb8;
	[tilespmem:$0x18080] =	vst v63  }
0x85: {  	_ = 	snop  }
0x86: {  	[tilespmem:s11], [sflag:$0x1] =	stream.indirect_vreg.gather [hbm4b:s4+s2], $0x80, v3, vm0, $0xb8;
	[tilespmem:$0x18080] =	vst v63  }
0x87: {  	_ = 	snop  }
0x88: {  	[tilespmem:s12], [sflag:$0x1] =	stream.indirect_vreg.gather [hbm4b:s5+s2], $0x80, v3, vm0, $0xb8;
	[tilespmem:$0x18080] =	vst v63  }
0x89: {  	v3 =	vld [tilespmem:$0x50];
	_ =	sdelay $0x4  }
0x8a: {  	v61 =	vshrl.u32 v3, $0x3  }
0x8b: {  	v4 =	vmul.u32 $0x30, v61  }
0x8c: {  	v3 =	vand.u32 $0x7, v3  }
0x8d: {  	v3 =	vor.u32 v3, v4  }
0x8e: {  	v4 =	vperm.xlane v3, v0;
	_ =	sdelay $0x1  }
0x8f: {  	v4 =	vadd.s32 v1, v4;
	_ =	sdelay $0x3  }
0x90: {  	v3 =	vperm.xlane v3, v2  }
0x91: {  	[tilespmem:s13], [sflag:$0x1] =	stream.indirect_vreg.gather [hbm4b:s3+s2], $0x80, v4, vm0, $0xb8;
	[tilespmem:$0x18080] =	vst v63  }
0x92: {  	v3 =	vadd.s32 v1, v3  }
0x93: {  	[tilespmem:s14], [sflag:$0x1] =	stream.indirect_vreg.gather [hbm4b:s4+s2], $0x80, v4, vm0, $0xb8;
	[tilespmem:$0x18080] =	vst v63  }
0x94: {  	_ = 	snop  }
0x95: {  	[tilespmem:s15], [sflag:$0x1] =	stream.indirect_vreg.gather [hbm4b:s5+s2], $0x80, v4, vm0, $0xb8;
	[tilespmem:$0x18080] =	vst v63  }
0x96: {  	_ = 	snop  }
0x97: {  	[tilespmem:s16], [sflag:$0x1] =	stream.indirect_vreg.gather [hbm4b:s3+s2], $0x80, v3, vm0, $0xb8;
	[tilespmem:$0x18080] =	vst v63  }
0x98: {  	_ = 	snop  }
0x99: {  	[tilespmem:s17], [sflag:$0x1] =	stream.indirect_vreg.gather [hbm4b:s4+s2], $0x80, v3, vm0, $0xb8;
	[tilespmem:$0x18080] =	vst v63  }
0x9a: {  	_ = 	snop  }
0x9b: {  	[tilespmem:s18], [sflag:$0x1] =	stream.indirect_vreg.gather [hbm4b:s5+s2], $0x80, v3, vm0, $0xb8;
	[tilespmem:$0x18080] =	vst v63  }
0x9c: {  	v3 =	vld [tilespmem:$0x60];
	_ =	sdelay $0x4  }
0x9d: {  	v62 =	vshrl.u32 v3, $0x3  }
0x9e: {  	v4 =	vmul.u32 $0x30, v62  }
0x9f: {  	v3 =	vand.u32 $0x7, v3  }
0xa0: {  	v3 =	vor.u32 v3, v4  }
0xa1: {  	v4 =	vperm.xlane v3, v0;
	_ =	sdelay $0x1  }
0xa2: {  	v4 =	vadd.s32 v1, v4;
	_ =	sdelay $0x3  }
0xa3: {  	v3 =	vperm.xlane v3, v2  }
0xa4: {  	[tilespmem:s19], [sflag:$0x1] =	stream.indirect_vreg.gather [hbm4b:s3+s2], $0x80, v4, vm0, $0xb8;
	[tilespmem:$0x18080] =	vst v63  }
0xa5: {  	v3 =	vadd.s32 v1, v3  }
0xa6: {  	[tilespmem:s20], [sflag:$0x1] =	stream.indirect_vreg.gather [hbm4b:s4+s2], $0x80, v4, vm0, $0xb8;
	[tilespmem:$0x18080] =	vst v63  }
0xa7: {  	_ = 	snop  }
0xa8: {  	[tilespmem:s21], [sflag:$0x1] =	stream.indirect_vreg.gather [hbm4b:s5+s2], $0x80, v4, vm0, $0xb8;
	[tilespmem:$0x18080] =	vst v63  }
0xa9: {  	_ = 	snop  }
0xaa: {  	[tilespmem:s22], [sflag:$0x1] =	stream.indirect_vreg.gather [hbm4b:s3+s2], $0x80, v3, vm0, $0xb8;
	[tilespmem:$0x18080] =	vst v63  }
0xab: {  	_ = 	snop  }
0xac: {  	[tilespmem:s23], [sflag:$0x1] =	stream.indirect_vreg.gather [hbm4b:s4+s2], $0x80, v3, vm0, $0xb8;
	[tilespmem:$0x18080] =	vst v63  }
0xad: {  	_ = 	snop  }
0xae: {  	[tilespmem:s24], [sflag:$0x1] =	stream.indirect_vreg.gather [hbm4b:s5+s2], $0x80, v3, vm0, $0xb8;
	[tilespmem:$0x18080] =	vst v63  }
0xaf: {  	v3 =	vld [tilespmem:$0x70];
	_ =	sdelay $0x4  }
0xb0: {  	v63 =	vshrl.u32 v3, $0x3  }
0xb1: {  	v4 =	vmul.u32 $0x30, v63  }
0xb2: {  	v3 =	vand.u32 $0x7, v3  }
0xb3: {  	v3 =	vor.u32 v3, v4  }
0xb4: {  	v4 =	vperm.xlane v3, v0;
	_ =	sdelay $0x1  }
0xb5: {  	v4 =	vadd.s32 v1, v4;
	_ =	sdelay $0x3  }
0xb6: {  	v3 =	vperm.xlane v3, v2  }
0xb7: {  	[tilespmem:s25], [sflag:$0x1] =	stream.indirect_vreg.gather [hbm4b:s3+s2], $0x80, v4, vm0, $0xb8;
	[tilespmem:$0x18080] =	vst v63  }
0xb8: {  	v3 =	vadd.s32 v1, v3  }
0xb9: {  	[tilespmem:s26], [sflag:$0x1] =	stream.indirect_vreg.gather [hbm4b:s4+s2], $0x80, v4, vm0, $0xb8;
	[tilespmem:$0x18080] =	vst v63  }
0xba: {  	_ = 	snop  }
0xbb: {  	[tilespmem:s28], [sflag:$0x1] =	stream.indirect_vreg.gather [hbm4b:s5+s2], $0x80, v4, vm0, $0xb8;
	[tilespmem:$0x18080] =	vst v63  }
0xbc: {  	_ = 	snop  }
0xbd: {  	[tilespmem:s29], [sflag:$0x1] =	stream.indirect_vreg.gather [hbm4b:s3+s2], $0x80, v3, vm0, $0xb8;
	[tilespmem:$0x18080] =	vst v63  }
0xbe: {  	_ = 	snop  }
0xbf: {  	[tilespmem:s30], [sflag:$0x1] =	stream.indirect_vreg.gather [hbm4b:s4+s2], $0x80, v3, vm0, $0xb8;
	[tilespmem:$0x18080] =	vst v63  }
0xc0: {  	_ = 	snop  }
0xc1: {  	[tilespmem:s31], [sflag:$0x1] =	stream.indirect_vreg.gather [hbm4b:s5+s2], $0x80, v3, vm0, $0xb8;
	[tilespmem:$0x18080] =	vst v63  }
0xc2: {  	_ =	swait.ge [sflag:s1], $0x18000  }
0xc3: {  	p0 =	sne.s32 s6, $0x1;
	[sflag:s1] =	ssyncset.done $0x0  }
.Ltmp0:
0xc4: {  	s9 =	rddreg [dreg:$0x4];
	[sflag:s1] =	ssyncadd.s32 $0xFFFE8000;
	(pc) =	sbr.rel @p0 .LBB2_1-.Ltmp0, $4  }
0xc5: {  	[hbm4b:s9+s2] =	stream.linear.scatter [tilespmem:s8], [sflag:$0x2], $0x18000, $0x38;
	[tilespmem:$0x18080] =	vst v63  }
0xc6: {  	_ =	swait.ge [sflag:s7], $0x18000  }
0xc7: {  	[sflag:s7] =	ssyncset.done $0x0  }
0xc8: {  	s6 =	sadd.s32 $0xFFFFFFFF, s6;
	[sflag:s7] =	ssyncadd.s32 $0xFFFE8000  }
0xc9: {  	_ =	sfence.sel $0x180000  }
0xca: {  	[bflag:$0x0] =	sbarrier.arrive $0xFFFF  }
0xcb: {  	_ =	strace $0x9000004A  }
0xcc: {  	s0 =	stileid.u32;
	[bflag:$0x2] =	sbarrier.arrive $0xFFFF  }
0xcd: {  	p0 =	sne.s32 s0, $0x0;
	s0 =	rddreg [dreg:$0x2]  }
0xce: {  	s0 =	sadd.s32 @!p0 $0x100000, s0  }
0xcf: {  	[sflag:s0] =	ssyncadd.tile.s32 @!p0 $0x1;
	_ =	shalt  }
.Lfunc_end2:
_tile_overlayer_lowered:
.L_overlay_start_2:
0xd0: {  	(tag) =	ssettag $0x2  }
0xd1: {  	s0 =	rddreg [dreg:$0x0];
	s2 =	stileid.u32  }
0xd2: {  	s1 =	rddreg [dreg:$0x1];
	p0 =	sne.s32 s2, $0x0  }
0xd3: {  	s3 =	rddreg [dreg:$0x2];
	[bflag:$0x3] =	sbarrier.arrive $0xFFFF;
	s2 =	simm.s32 @!p0 $0x1C02  }
0xd4: {  	[timem:s3], [sflag:s2] =	dma.local @!p0 [hbm:s0], s1  }
0xd5: {  	s0 =	simm.s32 @!p0 $0x2  }
0xd6: {  	_ =	swait.ge @!p0 [sflag:s0], s1  }
0xd7: {  	s1 =	ssub.s32 @!p0 $0x0, s1;
	[sflag:s0] =	ssyncset.done @!p0 $0x0  }
0xd8: {  	[sflag:s0] =	ssyncadd.s32 @!p0 s1  }
0xd9: {  	[bflag:$0x3] =	sbarrier.arrive $0xFFFF  }
0xda: {  	_ =	shalt  }

</sc_bundles>
